<compile_context>
chip_gen: v7x
topology: tpu7x:2x2x1
jax: 0.10.2.dev20260603
libtpu: 0.0.44.dev20260713+nightly
codegen_flags: <defaults>
</compile_context>

<pallas_src>
import functools

import jax
import jax.numpy as jnp
from jax import lax
from jax.experimental import pallas as pl
from jax.experimental.pallas import tpu as pltpu
from jax.experimental.pallas import tpu_sc as plsc

_BATCH = 16384
_HIST = 50
_D = 32

_NC = 2
_NS = 16
_NW = _NC * _NS
_BPW = _BATCH // _NW
_NBUF = 5
_N_OUTER = _HIST // _NBUF

_mesh = plsc.VectorSubcoreMesh(core_axis_name="c", subcore_axis_name="s")


@functools.partial(
    pl.kernel,
    out_type=jax.ShapeDtypeStruct((_HIST, _BATCH, _D), jnp.float32),
    mesh=_mesh,
    scratch_types=[
        pltpu.VMEM((_HIST, _BPW), jnp.int32),
        pltpu.VMEM((_NBUF, _BPW, _D), jnp.float32),
        pltpu.SemaphoreType.DMA((_NBUF,)),
        pltpu.SemaphoreType.DMA((_NBUF,)),
    ],
    compiler_params=pltpu.CompilerParams(
        use_tc_tiling_on_sc=False, needs_layout_passes=False
    ),
)
def _sc_gather(idxt_hbm, table_hbm, out_hbm, idx_v, rows_v, gsem, ssem):
    wid = lax.axis_index("s") * _NC + lax.axis_index("c")
    b0 = wid * _BPW
    pltpu.sync_copy(idxt_hbm.at[:, pl.ds(b0, _BPW)], idx_v)

    def start_gather(h, b):
        for c in range(4):
            pltpu.make_async_copy(
                table_hbm.at[idx_v.at[h, pl.ds(c * 128, 128)]],
                rows_v.at[b, pl.ds(c * 128, 128)],
                gsem.at[b],
            ).start()

    def wait_gather(h, b):
        pltpu.make_async_copy(
            out_hbm.at[h, pl.ds(b0, _BPW)], rows_v.at[b], gsem.at[b]
        ).wait()

    def store_desc(h, b):
        return pltpu.make_async_copy(
            rows_v.at[b],
            out_hbm.at[h, pl.ds(b0, _BPW)],
            ssem.at[b],
        )

    for b in range(_NBUF - 1):
        start_gather(b, b)

    def outer(i, carry):
        t0 = i * _NBUF
        for b in range(_NBUF):
            t = t0 + b
            h_next = t + _NBUF - 1
            bn = (b - 1) % _NBUF

            def refill(t=t, h_next=h_next, bn=bn, guard_prev=(b == 0)):
                if guard_prev:
                    @pl.when(t >= 1)
                    def _():
                        store_desc(t - 1, bn).wait()
                else:
                    store_desc(t - 1, bn).wait()
                start_gather(h_next, bn)

            pl.when(h_next < _HIST)(refill)

            wait_gather(t, b)
            store_desc(t, b).start()
        return carry

    lax.fori_loop(0, _N_OUTER, outer, 0)

    for b in range(_NBUF):
        store_desc(_HIST - _NBUF + b, b).wait()


def kernel(inputs, table):
    idx_t = inputs.astype(jnp.int32).T
    return _sc_gather(idx_t, table).transpose(1, 0, 2)

# --- scband reference (transcript-rebuilt; emitter-appended) ---
"""Pipeline reference for scband-embedder-16801912062024 (READ-ONLY COPY).

The authoritative reference and input builder live on the scoring server;
editing this copy changes nothing except your own understanding.
"""

import jax, jax.numpy as jnp
import numpy as np

VOCAB = 1000000
EMBED_DIM = 32
BATCH = 16384
HIST = 50

def setup_inputs(seed: int = 0) -> dict:
    key = jax.random.key(seed)
    k_idx, k_tab = jax.random.split(key)
    inputs = jax.random.randint(k_idx, (BATCH, HIST), 0, VOCAB, dtype=jnp.int64 if jax.config.jax_enable_x64 else jnp.int32)
    table = jax.random.normal(k_tab, (VOCAB, EMBED_DIM), dtype=jnp.float32)
    return {"inputs": inputs, "table": table}

def reference(inputs, table):
    # nn.Embedding lookup: gather rows of the table by index
    embeds = jnp.take(table, inputs, axis=0)
    return embeds

if __name__ == "__main__":
    import jax
    _d = setup_inputs()
    print(jax.jit(kernel)(*tuple(_d.values())))

</pallas_src>

<mosaic_0001>
#map = affine_map<(d0, d1) -> (0, 0)>
#map1 = affine_map<(d0, d1) -> (0, 0, 0)>
module attributes {stable_mosaic.version = 14 : i64} {
  func.func @_sc_gather(%arg0: i32, %arg1: i32, %arg2: memref<50x16384xi32, #tpu.memory_space<hbm>>, %arg3: memref<1000000x32xf32, #tpu.memory_space<hbm>>, %arg4: memref<50x16384x32xf32, #tpu.memory_space<hbm>>, %arg5: memref<50x512xi32, #tpu.memory_space<vmem>>, %arg6: memref<5x512x32xf32, #tpu.memory_space<vmem>>, %arg7: memref<5x!tpu.dma_semaphore, #tpu.memory_space<semaphore_mem>>, %arg8: memref<5x!tpu.dma_semaphore, #tpu.memory_space<semaphore_mem>>) attributes {dimension_semantics = [#tpu.dimension_semantics<core_parallel>, #tpu.dimension_semantics<subcore_parallel>], iteration_bounds = array<i64: 2, 16>, scalar_prefetch = 0 : i64, scratch_operands = 4 : i64, tpu.core_type = #tpu.core_type<sc_vector_subcore>, window_params = [{transform_indices = #map}, {transform_indices = #map}, {transform_indices = #map1}]} {
    %mul3A = arith.constant 2 : i32
    %mul3A_0 = arith.muli %arg1, %mul3A : i32
    %add3A = arith.addi %mul3A_0, %arg0 : i32
    %mul3A_1 = arith.constant 512 : i32
    %mul3A_2 = arith.muli %add3A, %mul3A_1 : i32
    "tpu.region"() ({
      %run_scoped3A = tpu.sem_alloc : memref<!tpu.dma_semaphore, #tpu.memory_space<semaphore_mem>>
      %dma_start3A_341 = arith.constant 0 : i32
      %dma_start3A_342 = tpu.memref_slice %arg2[%dma_start3A_341, %mul3A_2] : memref<50x16384xi32, #tpu.memory_space<hbm>> -> memref<50x512xi32, #tpu.memory_space<hbm>>
      %dma_start3A_343 = arith.constant 0 : i32
      %dma_start3A_344 = tpu.memref_slice %arg2[%dma_start3A_343, %mul3A_2] : memref<50x16384xi32, #tpu.memory_space<hbm>> -> memref<50x512xi32, #tpu.memory_space<hbm>>
      tpu.enqueue_dma source(%dma_start3A_344 : memref<50x512xi32, #tpu.memory_space<hbm>>) target(%arg5 : memref<50x512xi32, #tpu.memory_space<vmem>>) target_semaphore(%run_scoped3A : memref<!tpu.dma_semaphore, #tpu.memory_space<semaphore_mem>>)
      %dma_wait3A_345 = arith.constant 0 : i32
      %dma_wait3A_346 = tpu.memref_slice %arg2[%dma_wait3A_345, %mul3A_2] : memref<50x16384xi32, #tpu.memory_space<hbm>> -> memref<50x512xi32, #tpu.memory_space<hbm>>
      %dma_wait3A_347 = arith.constant 0 : i32
      %dma_wait3A_348 = tpu.memref_slice %arg2[%dma_wait3A_347, %mul3A_2] : memref<50x16384xi32, #tpu.memory_space<hbm>> -> memref<50x512xi32, #tpu.memory_space<hbm>>
      tpu.wait_dma2 semaphore(%run_scoped3A : memref<!tpu.dma_semaphore, #tpu.memory_space<semaphore_mem>>) src(%dma_wait3A_348 : memref<50x512xi32, #tpu.memory_space<hbm>>) dst(%arg5 : memref<50x512xi32, #tpu.memory_space<vmem>>)
      tpu.yield
    }) : () -> ()
    %dma_start3A = arith.constant 0 : i32
    %dma_start3A_3 = arith.constant 0 : i32
    %dma_start3A_4 = arith.constant 0 : i32
    %dma_start3A_5 = arith.constant 0 : i32
    %dma_start3A_6 = arith.constant 0 : i32
    %dma_start3A_7 = tpu.memref_slice %arg6[%dma_start3A_3, %dma_start3A_5, %dma_start3A_6] : memref<5x512x32xf32, #tpu.memory_space<vmem>> -> memref<1x128x32xf32, #tpu.memory_space<vmem>>
    %dma_start3A_8 = tpu.memref_squeeze %dma_start3A_7 : memref<1x128x32xf32, #tpu.memory_space<vmem>> -> memref<128x32xf32, #tpu.memory_space<vmem>>
    %dma_start3A_9 = arith.constant 0 : i32
    %dma_start3A_10 = tpu.memref_slice %arg5[%dma_start3A, %dma_start3A_9] : memref<50x512xi32, #tpu.memory_space<vmem>> -> memref<1x128xi32, #tpu.memory_space<vmem>>
    %dma_start3A_11 = tpu.memref_squeeze %dma_start3A_10 : memref<1x128xi32, #tpu.memory_space<vmem>> -> memref<128xi32, #tpu.memory_space<vmem>>
    %dma_start3A_12 = arith.constant 0 : i32
    %dma_start3A_13 = arith.constant 0 : i32
    %dma_start3A_14 = tpu.memref_slice %arg3[%dma_start3A_12, %dma_start3A_13] : memref<1000000x32xf32, #tpu.memory_space<hbm>> -> memref<1000000x32xf32, #tpu.memory_space<hbm>>
    %dma_start3A_15 = tpu.memref_slice %arg7[%dma_start3A_4] : memref<5x!tpu.dma_semaphore, #tpu.memory_space<semaphore_mem>> -> memref<1x!tpu.dma_semaphore, #tpu.memory_space<semaphore_mem>>
    %dma_start3A_16 = tpu.memref_squeeze %dma_start3A_15 : memref<1x!tpu.dma_semaphore, #tpu.memory_space<semaphore_mem>> -> memref<!tpu.dma_semaphore, #tpu.memory_space<semaphore_mem>>
    tpu.enqueue_indirect_dma source(%dma_start3A_14 : memref<1000000x32xf32, #tpu.memory_space<hbm>>) target(%dma_start3A_8 : memref<128x32xf32, #tpu.memory_space<vmem>>) offsets(%dma_start3A_11 : memref<128xi32, #tpu.memory_space<vmem>>) semaphore(%dma_start3A_16 : memref<!tpu.dma_semaphore, #tpu.memory_space<semaphore_mem>>)
    %dma_start3A_17 = arith.constant 0 : i32
    %dma_start3A_18 = arith.constant 0 : i32
    %dma_start3A_19 = arith.constant 0 : i32
    %dma_start3A_20 = arith.constant 128 : i32
    %dma_start3A_21 = arith.constant 0 : i32
    %dma_start3A_22 = tpu.memref_slice %arg6[%dma_start3A_18, %dma_start3A_20, %dma_start3A_21] : memref<5x512x32xf32, #tpu.memory_space<vmem>> -> memref<1x128x32xf32, #tpu.memory_space<vmem>>
    %dma_start3A_23 = tpu.memref_squeeze %dma_start3A_22 : memref<1x128x32xf32, #tpu.memory_space<vmem>> -> memref<128x32xf32, #tpu.memory_space<vmem>>
    %dma_start3A_24 = arith.constant 128 : i32
    %dma_start3A_25 = tpu.memref_slice %arg5[%dma_start3A_17, %dma_start3A_24] : memref<50x512xi32, #tpu.memory_space<vmem>> -> memref<1x128xi32, #tpu.memory_space<vmem>>
    %dma_start3A_26 = tpu.memref_squeeze %dma_start3A_25 : memref<1x128xi32, #tpu.memory_space<vmem>> -> memref<128xi32, #tpu.memory_space<vmem>>
    %dma_start3A_27 = arith.constant 0 : i32
    %dma_start3A_28 = arith.constant 0 : i32
    %dma_start3A_29 = tpu.memref_slice %arg3[%dma_start3A_27, %dma_start3A_28] : memref<1000000x32xf32, #tpu.memory_space<hbm>> -> memref<1000000x32xf32, #tpu.memory_space<hbm>>
    %dma_start3A_30 = tpu.memref_slice %arg7[%dma_start3A_19] : memref<5x!tpu.dma_semaphore, #tpu.memory_space<semaphore_mem>> -> memref<1x!tpu.dma_semaphore, #tpu.memory_space<semaphore_mem>>
    %dma_start3A_31 = tpu.memref_squeeze %dma_start3A_30 : memref<1x!tpu.dma_semaphore, #tpu.memory_space<semaphore_mem>> -> memref<!tpu.dma_semaphore, #tpu.memory_space<semaphore_mem>>
    tpu.enqueue_indirect_dma source(%dma_start3A_29 : memref<1000000x32xf32, #tpu.memory_space<hbm>>) target(%dma_start3A_23 : memref<128x32xf32, #tpu.memory_space<vmem>>) offsets(%dma_start3A_26 : memref<128xi32, #tpu.memory_space<vmem>>) semaphore(%dma_start3A_31 : memref<!tpu.dma_semaphore, #tpu.memory_space<semaphore_mem>>)
    %dma_start3A_32 = arith.constant 0 : i32
    %dma_start3A_33 = arith.constant 0 : i32
    %dma_start3A_34 = arith.constant 0 : i32
    %dma_start3A_35 = arith.constant 256 : i32
    %dma_start3A_36 = arith.constant 0 : i32
    %dma_start3A_37 = tpu.memref_slice %arg6[%dma_start3A_33, %dma_start3A_35, %dma_start3A_36] : memref<5x512x32xf32, #tpu.memory_space<vmem>> -> memref<1x128x32xf32, #tpu.memory_space<vmem>>
    %dma_start3A_38 = tpu.memref_squeeze %dma_start3A_37 : memref<1x128x32xf32, #tpu.memory_space<vmem>> -> memref<128x32xf32, #tpu.memory_space<vmem>>
    %dma_start3A_39 = arith.constant 256 : i32
    %dma_start3A_40 = tpu.memref_slice %arg5[%dma_start3A_32, %dma_start3A_39] : memref<50x512xi32, #tpu.memory_space<vmem>> -> memref<1x128xi32, #tpu.memory_space<vmem>>
    %dma_start3A_41 = tpu.memref_squeeze %dma_start3A_40 : memref<1x128xi32, #tpu.memory_space<vmem>> -> memref<128xi32, #tpu.memory_space<vmem>>
    %dma_start3A_42 = arith.constant 0 : i32
    %dma_start3A_43 = arith.constant 0 : i32
    %dma_start3A_44 = tpu.memref_slice %arg3[%dma_start3A_42, %dma_start3A_43] : memref<1000000x32xf32, #tpu.memory_space<hbm>> -> memref<1000000x32xf32, #tpu.memory_space<hbm>>
    %dma_start3A_45 = tpu.memref_slice %arg7[%dma_start3A_34] : memref<5x!tpu.dma_semaphore, #tpu.memory_space<semaphore_mem>> -> memref<1x!tpu.dma_semaphore, #tpu.memory_space<semaphore_mem>>
    %dma_start3A_46 = tpu.memref_squeeze %dma_start3A_45 : memref<1x!tpu.dma_semaphore, #tpu.memory_space<semaphore_mem>> -> memref<!tpu.dma_semaphore, #tpu.memory_space<semaphore_mem>>
    tpu.enqueue_indirect_dma source(%dma_start3A_44 : memref<1000000x32xf32, #tpu.memory_space<hbm>>) target(%dma_start3A_38 : memref<128x32xf32, #tpu.memory_space<vmem>>) offsets(%dma_start3A_41 : memref<128xi32, #tpu.memory_space<vmem>>) semaphore(%dma_start3A_46 : memref<!tpu.dma_semaphore, #tpu.memory_space<semaphore_mem>>)
    %dma_start3A_47 = arith.constant 0 : i32
    %dma_start3A_48 = arith.constant 0 : i32
    %dma_start3A_49 = arith.constant 0 : i32
    %dma_start3A_50 = arith.constant 384 : i32
    %dma_start3A_51 = arith.constant 0 : i32
    %dma_start3A_52 = tpu.memref_slice %arg6[%dma_start3A_48, %dma_start3A_50, %dma_start3A_51] : memref<5x512x32xf32, #tpu.memory_space<vmem>> -> memref<1x128x32xf32, #tpu.memory_space<vmem>>
    %dma_start3A_53 = tpu.memref_squeeze %dma_start3A_52 : memref<1x128x32xf32, #tpu.memory_space<vmem>> -> memref<128x32xf32, #tpu.memory_space<vmem>>
    %dma_start3A_54 = arith.constant 384 : i32
    %dma_start3A_55 = tpu.memref_slice %arg5[%dma_start3A_47, %dma_start3A_54] : memref<50x512xi32, #tpu.memory_space<vmem>> -> memref<1x128xi32, #tpu.memory_space<vmem>>
    %dma_start3A_56 = tpu.memref_squeeze %dma_start3A_55 : memref<1x128xi32, #tpu.memory_space<vmem>> -> memref<128xi32, #tpu.memory_space<vmem>>
    %dma_start3A_57 = arith.constant 0 : i32
    %dma_start3A_58 = arith.constant 0 : i32
    %dma_start3A_59 = tpu.memref_slice %arg3[%dma_start3A_57, %dma_start3A_58] : memref<1000000x32xf32, #tpu.memory_space<hbm>> -> memref<1000000x32xf32, #tpu.memory_space<hbm>>
    %dma_start3A_60 = tpu.memref_slice %arg7[%dma_start3A_49] : memref<5x!tpu.dma_semaphore, #tpu.memory_space<semaphore_mem>> -> memref<1x!tpu.dma_semaphore, #tpu.memory_space<semaphore_mem>>
    %dma_start3A_61 = tpu.memref_squeeze %dma_start3A_60 : memref<1x!tpu.dma_semaphore, #tpu.memory_space<semaphore_mem>> -> memref<!tpu.dma_semaphore, #tpu.memory_space<semaphore_mem>>
    tpu.enqueue_indirect_dma source(%dma_start3A_59 : memref<1000000x32xf32, #tpu.memory_space<hbm>>) target(%dma_start3A_53 : memref<128x32xf32, #tpu.memory_space<vmem>>) offsets(%dma_start3A_56 : memref<128xi32, #tpu.memory_space<vmem>>) semaphore(%dma_start3A_61 : memref<!tpu.dma_semaphore, #tpu.memory_space<semaphore_mem>>)
    %dma_start3A_62 = arith.constant 1 : i32
    %dma_start3A_63 = arith.constant 1 : i32
    %dma_start3A_64 = arith.constant 1 : i32
    %dma_start3A_65 = arith.constant 0 : i32
    %dma_start3A_66 = arith.constant 0 : i32
    %dma_start3A_67 = tpu.memref_slice %arg6[%dma_start3A_63, %dma_start3A_65, %dma_start3A_66] : memref<5x512x32xf32, #tpu.memory_space<vmem>> -> memref<1x128x32xf32, #tpu.memory_space<vmem>>
    %dma_start3A_68 = tpu.memref_squeeze %dma_start3A_67 : memref<1x128x32xf32, #tpu.memory_space<vmem>> -> memref<128x32xf32, #tpu.memory_space<vmem>>
    %dma_start3A_69 = arith.constant 0 : i32
    %dma_start3A_70 = tpu.memref_slice %arg5[%dma_start3A_62, %dma_start3A_69] : memref<50x512xi32, #tpu.memory_space<vmem>> -> memref<1x128xi32, #tpu.memory_space<vmem>>
    %dma_start3A_71 = tpu.memref_squeeze %dma_start3A_70 : memref<1x128xi32, #tpu.memory_space<vmem>> -> memref<128xi32, #tpu.memory_space<vmem>>
    %dma_start3A_72 = arith.constant 0 : i32
    %dma_start3A_73 = arith.constant 0 : i32
    %dma_start3A_74 = tpu.memref_slice %arg3[%dma_start3A_72, %dma_start3A_73] : memref<1000000x32xf32, #tpu.memory_space<hbm>> -> memref<1000000x32xf32, #tpu.memory_space<hbm>>
    %dma_start3A_75 = tpu.memref_slice %arg7[%dma_start3A_64] : memref<5x!tpu.dma_semaphore, #tpu.memory_space<semaphore_mem>> -> memref<1x!tpu.dma_semaphore, #tpu.memory_space<semaphore_mem>>
    %dma_start3A_76 = tpu.memref_squeeze %dma_start3A_75 : memref<1x!tpu.dma_semaphore, #tpu.memory_space<semaphore_mem>> -> memref<!tpu.dma_semaphore, #tpu.memory_space<semaphore_mem>>
    tpu.enqueue_indirect_dma source(%dma_start3A_74 : memref<1000000x32xf32, #tpu.memory_space<hbm>>) target(%dma_start3A_68 : memref<128x32xf32, #tpu.memory_space<vmem>>) offsets(%dma_start3A_71 : memref<128xi32, #tpu.memory_space<vmem>>) semaphore(%dma_start3A_76 : memref<!tpu.dma_semaphore, #tpu.memory_space<semaphore_mem>>)
    %dma_start3A_77 = arith.constant 1 : i32
    %dma_start3A_78 = arith.constant 1 : i32
    %dma_start3A_79 = arith.constant 1 : i32
    %dma_start3A_80 = arith.constant 128 : i32
    %dma_start3A_81 = arith.constant 0 : i32
    %dma_start3A_82 = tpu.memref_slice %arg6[%dma_start3A_78, %dma_start3A_80, %dma_start3A_81] : memref<5x512x32xf32, #tpu.memory_space<vmem>> -> memref<1x128x32xf32, #tpu.memory_space<vmem>>
    %dma_start3A_83 = tpu.memref_squeeze %dma_start3A_82 : memref<1x128x32xf32, #tpu.memory_space<vmem>> -> memref<128x32xf32, #tpu.memory_space<vmem>>
    %dma_start3A_84 = arith.constant 128 : i32
    %dma_start3A_85 = tpu.memref_slice %arg5[%dma_start3A_77, %dma_start3A_84] : memref<50x512xi32, #tpu.memory_space<vmem>> -> memref<1x128xi32, #tpu.memory_space<vmem>>
    %dma_start3A_86 = tpu.memref_squeeze %dma_start3A_85 : memref<1x128xi32, #tpu.memory_space<vmem>> -> memref<128xi32, #tpu.memory_space<vmem>>
    %dma_start3A_87 = arith.constant 0 : i32
    %dma_start3A_88 = arith.constant 0 : i32
    %dma_start3A_89 = tpu.memref_slice %arg3[%dma_start3A_87, %dma_start3A_88] : memref<1000000x32xf32, #tpu.memory_space<hbm>> -> memref<1000000x32xf32, #tpu.memory_space<hbm>>
    %dma_start3A_90 = tpu.memref_slice %arg7[%dma_start3A_79] : memref<5x!tpu.dma_semaphore, #tpu.memory_space<semaphore_mem>> -> memref<1x!tpu.dma_semaphore, #tpu.memory_space<semaphore_mem>>
    %dma_start3A_91 = tpu.memref_squeeze %dma_start3A_90 : memref<1x!tpu.dma_semaphore, #tpu.memory_space<semaphore_mem>> -> memref<!tpu.dma_semaphore, #tpu.memory_space<semaphore_mem>>
    tpu.enqueue_indirect_dma source(%dma_start3A_89 : memref<1000000x32xf32, #tpu.memory_space<hbm>>) target(%dma_start3A_83 : memref<128x32xf32, #tpu.memory_space<vmem>>) offsets(%dma_start3A_86 : memref<128xi32, #tpu.memory_space<vmem>>) semaphore(%dma_start3A_91 : memref<!tpu.dma_semaphore, #tpu.memory_space<semaphore_mem>>)
    %dma_start3A_92 = arith.constant 1 : i32
    %dma_start3A_93 = arith.constant 1 : i32
    %dma_start3A_94 = arith.constant 1 : i32
    %dma_start3A_95 = arith.constant 256 : i32
    %dma_start3A_96 = arith.constant 0 : i32
    %dma_start3A_97 = tpu.memref_slice %arg6[%dma_start3A_93, %dma_start3A_95, %dma_start3A_96] : memref<5x512x32xf32, #tpu.memory_space<vmem>> -> memref<1x128x32xf32, #tpu.memory_space<vmem>>
    %dma_start3A_98 = tpu.memref_squeeze %dma_start3A_97 : memref<1x128x32xf32, #tpu.memory_space<vmem>> -> memref<128x32xf32, #tpu.memory_space<vmem>>
    %dma_start3A_99 = arith.constant 256 : i32
    %dma_start3A_100 = tpu.memref_slice %arg5[%dma_start3A_92, %dma_start3A_99] : memref<50x512xi32, #tpu.memory_space<vmem>> -> memref<1x128xi32, #tpu.memory_space<vmem>>
    %dma_start3A_101 = tpu.memref_squeeze %dma_start3A_100 : memref<1x128xi32, #tpu.memory_space<vmem>> -> memref<128xi32, #tpu.memory_space<vmem>>
    %dma_start3A_102 = arith.constant 0 : i32
    %dma_start3A_103 = arith.constant 0 : i32
    %dma_start3A_104 = tpu.memref_slice %arg3[%dma_start3A_102, %dma_start3A_103] : memref<1000000x32xf32, #tpu.memory_space<hbm>> -> memref<1000000x32xf32, #tpu.memory_space<hbm>>
    %dma_start3A_105 = tpu.memref_slice %arg7[%dma_start3A_94] : memref<5x!tpu.dma_semaphore, #tpu.memory_space<semaphore_mem>> -> memref<1x!tpu.dma_semaphore, #tpu.memory_space<semaphore_mem>>
    %dma_start3A_106 = tpu.memref_squeeze %dma_start3A_105 : memref<1x!tpu.dma_semaphore, #tpu.memory_space<semaphore_mem>> -> memref<!tpu.dma_semaphore, #tpu.memory_space<semaphore_mem>>
    tpu.enqueue_indirect_dma source(%dma_start3A_104 : memref<1000000x32xf32, #tpu.memory_space<hbm>>) target(%dma_start3A_98 : memref<128x32xf32, #tpu.memory_space<vmem>>) offsets(%dma_start3A_101 : memref<128xi32, #tpu.memory_space<vmem>>) semaphore(%dma_start3A_106 : memref<!tpu.dma_semaphore, #tpu.memory_space<semaphore_mem>>)
    %dma_start3A_107 = arith.constant 1 : i32
    %dma_start3A_108 = arith.constant 1 : i32
    %dma_start3A_109 = arith.constant 1 : i32
    %dma_start3A_110 = arith.constant 384 : i32
    %dma_start3A_111 = arith.constant 0 : i32
    %dma_start3A_112 = tpu.memref_slice %arg6[%dma_start3A_108, %dma_start3A_110, %dma_start3A_111] : memref<5x512x32xf32, #tpu.memory_space<vmem>> -> memref<1x128x32xf32, #tpu.memory_space<vmem>>
    %dma_start3A_113 = tpu.memref_squeeze %dma_start3A_112 : memref<1x128x32xf32, #tpu.memory_space<vmem>> -> memref<128x32xf32, #tpu.memory_space<vmem>>
    %dma_start3A_114 = arith.constant 384 : i32
    %dma_start3A_115 = tpu.memref_slice %arg5[%dma_start3A_107, %dma_start3A_114] : memref<50x512xi32, #tpu.memory_space<vmem>> -> memref<1x128xi32, #tpu.memory_space<vmem>>
    %dma_start3A_116 = tpu.memref_squeeze %dma_start3A_115 : memref<1x128xi32, #tpu.memory_space<vmem>> -> memref<128xi32, #tpu.memory_space<vmem>>
    %dma_start3A_117 = arith.constant 0 : i32
    %dma_start3A_118 = arith.constant 0 : i32
    %dma_start3A_119 = tpu.memref_slice %arg3[%dma_start3A_117, %dma_start3A_118] : memref<1000000x32xf32, #tpu.memory_space<hbm>> -> memref<1000000x32xf32, #tpu.memory_space<hbm>>
    %dma_start3A_120 = tpu.memref_slice %arg7[%dma_start3A_109] : memref<5x!tpu.dma_semaphore, #tpu.memory_space<semaphore_mem>> -> memref<1x!tpu.dma_semaphore, #tpu.memory_space<semaphore_mem>>
    %dma_start3A_121 = tpu.memref_squeeze %dma_start3A_120 : memref<1x!tpu.dma_semaphore, #tpu.memory_space<semaphore_mem>> -> memref<!tpu.dma_semaphore, #tpu.memory_space<semaphore_mem>>
    tpu.enqueue_indirect_dma source(%dma_start3A_119 : memref<1000000x32xf32, #tpu.memory_space<hbm>>) target(%dma_start3A_113 : memref<128x32xf32, #tpu.memory_space<vmem>>) offsets(%dma_start3A_116 : memref<128xi32, #tpu.memory_space<vmem>>) semaphore(%dma_start3A_121 : memref<!tpu.dma_semaphore, #tpu.memory_space<semaphore_mem>>)
    %dma_start3A_122 = arith.constant 2 : i32
    %dma_start3A_123 = arith.constant 2 : i32
    %dma_start3A_124 = arith.constant 2 : i32
    %dma_start3A_125 = arith.constant 0 : i32
    %dma_start3A_126 = arith.constant 0 : i32
    %dma_start3A_127 = tpu.memref_slice %arg6[%dma_start3A_123, %dma_start3A_125, %dma_start3A_126] : memref<5x512x32xf32, #tpu.memory_space<vmem>> -> memref<1x128x32xf32, #tpu.memory_space<vmem>>
    %dma_start3A_128 = tpu.memref_squeeze %dma_start3A_127 : memref<1x128x32xf32, #tpu.memory_space<vmem>> -> memref<128x32xf32, #tpu.memory_space<vmem>>
    %dma_start3A_129 = arith.constant 0 : i32
    %dma_start3A_130 = tpu.memref_slice %arg5[%dma_start3A_122, %dma_start3A_129] : memref<50x512xi32, #tpu.memory_space<vmem>> -> memref<1x128xi32, #tpu.memory_space<vmem>>
    %dma_start3A_131 = tpu.memref_squeeze %dma_start3A_130 : memref<1x128xi32, #tpu.memory_space<vmem>> -> memref<128xi32, #tpu.memory_space<vmem>>
    %dma_start3A_132 = arith.constant 0 : i32
    %dma_start3A_133 = arith.constant 0 : i32
    %dma_start3A_134 = tpu.memref_slice %arg3[%dma_start3A_132, %dma_start3A_133] : memref<1000000x32xf32, #tpu.memory_space<hbm>> -> memref<1000000x32xf32, #tpu.memory_space<hbm>>
    %dma_start3A_135 = tpu.memref_slice %arg7[%dma_start3A_124] : memref<5x!tpu.dma_semaphore, #tpu.memory_space<semaphore_mem>> -> memref<1x!tpu.dma_semaphore, #tpu.memory_space<semaphore_mem>>
    %dma_start3A_136 = tpu.memref_squeeze %dma_start3A_135 : memref<1x!tpu.dma_semaphore, #tpu.memory_space<semaphore_mem>> -> memref<!tpu.dma_semaphore, #tpu.memory_space<semaphore_mem>>
    tpu.enqueue_indirect_dma source(%dma_start3A_134 : memref<1000000x32xf32, #tpu.memory_space<hbm>>) target(%dma_start3A_128 : memref<128x32xf32, #tpu.memory_space<vmem>>) offsets(%dma_start3A_131 : memref<128xi32, #tpu.memory_space<vmem>>) semaphore(%dma_start3A_136 : memref<!tpu.dma_semaphore, #tpu.memory_space<semaphore_mem>>)
    %dma_start3A_137 = arith.constant 2 : i32
    %dma_start3A_138 = arith.constant 2 : i32
    %dma_start3A_139 = arith.constant 2 : i32
    %dma_start3A_140 = arith.constant 128 : i32
    %dma_start3A_141 = arith.constant 0 : i32
    %dma_start3A_142 = tpu.memref_slice %arg6[%dma_start3A_138, %dma_start3A_140, %dma_start3A_141] : memref<5x512x32xf32, #tpu.memory_space<vmem>> -> memref<1x128x32xf32, #tpu.memory_space<vmem>>
    %dma_start3A_143 = tpu.memref_squeeze %dma_start3A_142 : memref<1x128x32xf32, #tpu.memory_space<vmem>> -> memref<128x32xf32, #tpu.memory_space<vmem>>
    %dma_start3A_144 = arith.constant 128 : i32
    %dma_start3A_145 = tpu.memref_slice %arg5[%dma_start3A_137, %dma_start3A_144] : memref<50x512xi32, #tpu.memory_space<vmem>> -> memref<1x128xi32, #tpu.memory_space<vmem>>
    %dma_start3A_146 = tpu.memref_squeeze %dma_start3A_145 : memref<1x128xi32, #tpu.memory_space<vmem>> -> memref<128xi32, #tpu.memory_space<vmem>>
    %dma_start3A_147 = arith.constant 0 : i32
    %dma_start3A_148 = arith.constant 0 : i32
    %dma_start3A_149 = tpu.memref_slice %arg3[%dma_start3A_147, %dma_start3A_148] : memref<1000000x32xf32, #tpu.memory_space<hbm>> -> memref<1000000x32xf32, #tpu.memory_space<hbm>>
    %dma_start3A_150 = tpu.memref_slice %arg7[%dma_start3A_139] : memref<5x!tpu.dma_semaphore, #tpu.memory_space<semaphore_mem>> -> memref<1x!tpu.dma_semaphore, #tpu.memory_space<semaphore_mem>>
    %dma_start3A_151 = tpu.memref_squeeze %dma_start3A_150 : memref<1x!tpu.dma_semaphore, #tpu.memory_space<semaphore_mem>> -> memref<!tpu.dma_semaphore, #tpu.memory_space<semaphore_mem>>
    tpu.enqueue_indirect_dma source(%dma_start3A_149 : memref<1000000x32xf32, #tpu.memory_space<hbm>>) target(%dma_start3A_143 : memref<128x32xf32, #tpu.memory_space<vmem>>) offsets(%dma_start3A_146 : memref<128xi32, #tpu.memory_space<vmem>>) semaphore(%dma_start3A_151 : memref<!tpu.dma_semaphore, #tpu.memory_space<semaphore_mem>>)
    %dma_start3A_152 = arith.constant 2 : i32
    %dma_start3A_153 = arith.constant 2 : i32
    %dma_start3A_154 = arith.constant 2 : i32
    %dma_start3A_155 = arith.constant 256 : i32
    %dma_start3A_156 = arith.constant 0 : i32
    %dma_start3A_157 = tpu.memref_slice %arg6[%dma_start3A_153, %dma_start3A_155, %dma_start3A_156] : memref<5x512x32xf32, #tpu.memory_space<vmem>> -> memref<1x128x32xf32, #tpu.memory_space<vmem>>
    %dma_start3A_158 = tpu.memref_squeeze %dma_start3A_157 : memref<1x128x32xf32, #tpu.memory_space<vmem>> -> memref<128x32xf32, #tpu.memory_space<vmem>>
    %dma_start3A_159 = arith.constant 256 : i32
    %dma_start3A_160 = tpu.memref_slice %arg5[%dma_start3A_152, %dma_start3A_159] : memref<50x512xi32, #tpu.memory_space<vmem>> -> memref<1x128xi32, #tpu.memory_space<vmem>>
    %dma_start3A_161 = tpu.memref_squeeze %dma_start3A_160 : memref<1x128xi32, #tpu.memory_space<vmem>> -> memref<128xi32, #tpu.memory_space<vmem>>
    %dma_start3A_162 = arith.constant 0 : i32
    %dma_start3A_163 = arith.constant 0 : i32
    %dma_start3A_164 = tpu.memref_slice %arg3[%dma_start3A_162, %dma_start3A_163] : memref<1000000x32xf32, #tpu.memory_space<hbm>> -> memref<1000000x32xf32, #tpu.memory_space<hbm>>
    %dma_start3A_165 = tpu.memref_slice %arg7[%dma_start3A_154] : memref<5x!tpu.dma_semaphore, #tpu.memory_space<semaphore_mem>> -> memref<1x!tpu.dma_semaphore, #tpu.memory_space<semaphore_mem>>
    %dma_start3A_166 = tpu.memref_squeeze %dma_start3A_165 : memref<1x!tpu.dma_semaphore, #tpu.memory_space<semaphore_mem>> -> memref<!tpu.dma_semaphore, #tpu.memory_space<semaphore_mem>>
    tpu.enqueue_indirect_dma source(%dma_start3A_164 : memref<1000000x32xf32, #tpu.memory_space<hbm>>) target(%dma_start3A_158 : memref<128x32xf32, #tpu.memory_space<vmem>>) offsets(%dma_start3A_161 : memref<128xi32, #tpu.memory_space<vmem>>) semaphore(%dma_start3A_166 : memref<!tpu.dma_semaphore, #tpu.memory_space<semaphore_mem>>)
    %dma_start3A_167 = arith.constant 2 : i32
    %dma_start3A_168 = arith.constant 2 : i32
    %dma_start3A_169 = arith.constant 2 : i32
    %dma_start3A_170 = arith.constant 384 : i32
    %dma_start3A_171 = arith.constant 0 : i32
    %dma_start3A_172 = tpu.memref_slice %arg6[%dma_start3A_168, %dma_start3A_170, %dma_start3A_171] : memref<5x512x32xf32, #tpu.memory_space<vmem>> -> memref<1x128x32xf32, #tpu.memory_space<vmem>>
    %dma_start3A_173 = tpu.memref_squeeze %dma_start3A_172 : memref<1x128x32xf32, #tpu.memory_space<vmem>> -> memref<128x32xf32, #tpu.memory_space<vmem>>
    %dma_start3A_174 = arith.constant 384 : i32
    %dma_start3A_175 = tpu.memref_slice %arg5[%dma_start3A_167, %dma_start3A_174] : memref<50x512xi32, #tpu.memory_space<vmem>> -> memref<1x128xi32, #tpu.memory_space<vmem>>
    %dma_start3A_176 = tpu.memref_squeeze %dma_start3A_175 : memref<1x128xi32, #tpu.memory_space<vmem>> -> memref<128xi32, #tpu.memory_space<vmem>>
    %dma_start3A_177 = arith.constant 0 : i32
    %dma_start3A_178 = arith.constant 0 : i32
    %dma_start3A_179 = tpu.memref_slice %arg3[%dma_start3A_177, %dma_start3A_178] : memref<1000000x32xf32, #tpu.memory_space<hbm>> -> memref<1000000x32xf32, #tpu.memory_space<hbm>>
    %dma_start3A_180 = tpu.memref_slice %arg7[%dma_start3A_169] : memref<5x!tpu.dma_semaphore, #tpu.memory_space<semaphore_mem>> -> memref<1x!tpu.dma_semaphore, #tpu.memory_space<semaphore_mem>>
    %dma_start3A_181 = tpu.memref_squeeze %dma_start3A_180 : memref<1x!tpu.dma_semaphore, #tpu.memory_space<semaphore_mem>> -> memref<!tpu.dma_semaphore, #tpu.memory_space<semaphore_mem>>
    tpu.enqueue_indirect_dma source(%dma_start3A_179 : memref<1000000x32xf32, #tpu.memory_space<hbm>>) target(%dma_start3A_173 : memref<128x32xf32, #tpu.memory_space<vmem>>) offsets(%dma_start3A_176 : memref<128xi32, #tpu.memory_space<vmem>>) semaphore(%dma_start3A_181 : memref<!tpu.dma_semaphore, #tpu.memory_space<semaphore_mem>>)
    %dma_start3A_182 = arith.constant 3 : i32
    %dma_start3A_183 = arith.constant 3 : i32
    %dma_start3A_184 = arith.constant 3 : i32
    %dma_start3A_185 = arith.constant 0 : i32
    %dma_start3A_186 = arith.constant 0 : i32
    %dma_start3A_187 = tpu.memref_slice %arg6[%dma_start3A_183, %dma_start3A_185, %dma_start3A_186] : memref<5x512x32xf32, #tpu.memory_space<vmem>> -> memref<1x128x32xf32, #tpu.memory_space<vmem>>
    %dma_start3A_188 = tpu.memref_squeeze %dma_start3A_187 : memref<1x128x32xf32, #tpu.memory_space<vmem>> -> memref<128x32xf32, #tpu.memory_space<vmem>>
    %dma_start3A_189 = arith.constant 0 : i32
    %dma_start3A_190 = tpu.memref_slice %arg5[%dma_start3A_182, %dma_start3A_189] : memref<50x512xi32, #tpu.memory_space<vmem>> -> memref<1x128xi32, #tpu.memory_space<vmem>>
    %dma_start3A_191 = tpu.memref_squeeze %dma_start3A_190 : memref<1x128xi32, #tpu.memory_space<vmem>> -> memref<128xi32, #tpu.memory_space<vmem>>
    %dma_start3A_192 = arith.constant 0 : i32
    %dma_start3A_193 = arith.constant 0 : i32
    %dma_start3A_194 = tpu.memref_slice %arg3[%dma_start3A_192, %dma_start3A_193] : memref<1000000x32xf32, #tpu.memory_space<hbm>> -> memref<1000000x32xf32, #tpu.memory_space<hbm>>
    %dma_start3A_195 = tpu.memref_slice %arg7[%dma_start3A_184] : memref<5x!tpu.dma_semaphore, #tpu.memory_space<semaphore_mem>> -> memref<1x!tpu.dma_semaphore, #tpu.memory_space<semaphore_mem>>
    %dma_start3A_196 = tpu.memref_squeeze %dma_start3A_195 : memref<1x!tpu.dma_semaphore, #tpu.memory_space<semaphore_mem>> -> memref<!tpu.dma_semaphore, #tpu.memory_space<semaphore_mem>>
    tpu.enqueue_indirect_dma source(%dma_start3A_194 : memref<1000000x32xf32, #tpu.memory_space<hbm>>) target(%dma_start3A_188 : memref<128x32xf32, #tpu.memory_space<vmem>>) offsets(%dma_start3A_191 : memref<128xi32, #tpu.memory_space<vmem>>) semaphore(%dma_start3A_196 : memref<!tpu.dma_semaphore, #tpu.memory_space<semaphore_mem>>)
    %dma_start3A_197 = arith.constant 3 : i32
    %dma_start3A_198 = arith.constant 3 : i32
    %dma_start3A_199 = arith.constant 3 : i32
    %dma_start3A_200 = arith.constant 128 : i32
    %dma_start3A_201 = arith.constant 0 : i32
    %dma_start3A_202 = tpu.memref_slice %arg6[%dma_start3A_198, %dma_start3A_200, %dma_start3A_201] : memref<5x512x32xf32, #tpu.memory_space<vmem>> -> memref<1x128x32xf32, #tpu.memory_space<vmem>>
    %dma_start3A_203 = tpu.memref_squeeze %dma_start3A_202 : memref<1x128x32xf32, #tpu.memory_space<vmem>> -> memref<128x32xf32, #tpu.memory_space<vmem>>
    %dma_start3A_204 = arith.constant 128 : i32
    %dma_start3A_205 = tpu.memref_slice %arg5[%dma_start3A_197, %dma_start3A_204] : memref<50x512xi32, #tpu.memory_space<vmem>> -> memref<1x128xi32, #tpu.memory_space<vmem>>
    %dma_start3A_206 = tpu.memref_squeeze %dma_start3A_205 : memref<1x128xi32, #tpu.memory_space<vmem>> -> memref<128xi32, #tpu.memory_space<vmem>>
    %dma_start3A_207 = arith.constant 0 : i32
    %dma_start3A_208 = arith.constant 0 : i32
    %dma_start3A_209 = tpu.memref_slice %arg3[%dma_start3A_207, %dma_start3A_208] : memref<1000000x32xf32, #tpu.memory_space<hbm>> -> memref<1000000x32xf32, #tpu.memory_space<hbm>>
    %dma_start3A_210 = tpu.memref_slice %arg7[%dma_start3A_199] : memref<5x!tpu.dma_semaphore, #tpu.memory_space<semaphore_mem>> -> memref<1x!tpu.dma_semaphore, #tpu.memory_space<semaphore_mem>>
    %dma_start3A_211 = tpu.memref_squeeze %dma_start3A_210 : memref<1x!tpu.dma_semaphore, #tpu.memory_space<semaphore_mem>> -> memref<!tpu.dma_semaphore, #tpu.memory_space<semaphore_mem>>
    tpu.enqueue_indirect_dma source(%dma_start3A_209 : memref<1000000x32xf32, #tpu.memory_space<hbm>>) target(%dma_start3A_203 : memref<128x32xf32, #tpu.memory_space<vmem>>) offsets(%dma_start3A_206 : memref<128xi32, #tpu.memory_space<vmem>>) semaphore(%dma_start3A_211 : memref<!tpu.dma_semaphore, #tpu.memory_space<semaphore_mem>>)
    %dma_start3A_212 = arith.constant 3 : i32
    %dma_start3A_213 = arith.constant 3 : i32
    %dma_start3A_214 = arith.constant 3 : i32
    %dma_start3A_215 = arith.constant 256 : i32
    %dma_start3A_216 = arith.constant 0 : i32
    %dma_start3A_217 = tpu.memref_slice %arg6[%dma_start3A_213, %dma_start3A_215, %dma_start3A_216] : memref<5x512x32xf32, #tpu.memory_space<vmem>> -> memref<1x128x32xf32, #tpu.memory_space<vmem>>
    %dma_start3A_218 = tpu.memref_squeeze %dma_start3A_217 : memref<1x128x32xf32, #tpu.memory_space<vmem>> -> memref<128x32xf32, #tpu.memory_space<vmem>>
    %dma_start3A_219 = arith.constant 256 : i32
    %dma_start3A_220 = tpu.memref_slice %arg5[%dma_start3A_212, %dma_start3A_219] : memref<50x512xi32, #tpu.memory_space<vmem>> -> memref<1x128xi32, #tpu.memory_space<vmem>>
    %dma_start3A_221 = tpu.memref_squeeze %dma_start3A_220 : memref<1x128xi32, #tpu.memory_space<vmem>> -> memref<128xi32, #tpu.memory_space<vmem>>
    %dma_start3A_222 = arith.constant 0 : i32
    %dma_start3A_223 = arith.constant 0 : i32
    %dma_start3A_224 = tpu.memref_slice %arg3[%dma_start3A_222, %dma_start3A_223] : memref<1000000x32xf32, #tpu.memory_space<hbm>> -> memref<1000000x32xf32, #tpu.memory_space<hbm>>
    %dma_start3A_225 = tpu.memref_slice %arg7[%dma_start3A_214] : memref<5x!tpu.dma_semaphore, #tpu.memory_space<semaphore_mem>> -> memref<1x!tpu.dma_semaphore, #tpu.memory_space<semaphore_mem>>
    %dma_start3A_226 = tpu.memref_squeeze %dma_start3A_225 : memref<1x!tpu.dma_semaphore, #tpu.memory_space<semaphore_mem>> -> memref<!tpu.dma_semaphore, #tpu.memory_space<semaphore_mem>>
    tpu.enqueue_indirect_dma source(%dma_start3A_224 : memref<1000000x32xf32, #tpu.memory_space<hbm>>) target(%dma_start3A_218 : memref<128x32xf32, #tpu.memory_space<vmem>>) offsets(%dma_start3A_221 : memref<128xi32, #tpu.memory_space<vmem>>) semaphore(%dma_start3A_226 : memref<!tpu.dma_semaphore, #tpu.memory_space<semaphore_mem>>)
    %dma_start3A_227 = arith.constant 3 : i32
    %dma_start3A_228 = arith.constant 3 : i32
    %dma_start3A_229 = arith.constant 3 : i32
    %dma_start3A_230 = arith.constant 384 : i32
    %dma_start3A_231 = arith.constant 0 : i32
    %dma_start3A_232 = tpu.memref_slice %arg6[%dma_start3A_228, %dma_start3A_230, %dma_start3A_231] : memref<5x512x32xf32, #tpu.memory_space<vmem>> -> memref<1x128x32xf32, #tpu.memory_space<vmem>>
    %dma_start3A_233 = tpu.memref_squeeze %dma_start3A_232 : memref<1x128x32xf32, #tpu.memory_space<vmem>> -> memref<128x32xf32, #tpu.memory_space<vmem>>
    %dma_start3A_234 = arith.constant 384 : i32
    %dma_start3A_235 = tpu.memref_slice %arg5[%dma_start3A_227, %dma_start3A_234] : memref<50x512xi32, #tpu.memory_space<vmem>> -> memref<1x128xi32, #tpu.memory_space<vmem>>
    %dma_start3A_236 = tpu.memref_squeeze %dma_start3A_235 : memref<1x128xi32, #tpu.memory_space<vmem>> -> memref<128xi32, #tpu.memory_space<vmem>>
    %dma_start3A_237 = arith.constant 0 : i32
    %dma_start3A_238 = arith.constant 0 : i32
    %dma_start3A_239 = tpu.memref_slice %arg3[%dma_start3A_237, %dma_start3A_238] : memref<1000000x32xf32, #tpu.memory_space<hbm>> -> memref<1000000x32xf32, #tpu.memory_space<hbm>>
    %dma_start3A_240 = tpu.memref_slice %arg7[%dma_start3A_229] : memref<5x!tpu.dma_semaphore, #tpu.memory_space<semaphore_mem>> -> memref<1x!tpu.dma_semaphore, #tpu.memory_space<semaphore_mem>>
    %dma_start3A_241 = tpu.memref_squeeze %dma_start3A_240 : memref<1x!tpu.dma_semaphore, #tpu.memory_space<semaphore_mem>> -> memref<!tpu.dma_semaphore, #tpu.memory_space<semaphore_mem>>
    tpu.enqueue_indirect_dma source(%dma_start3A_239 : memref<1000000x32xf32, #tpu.memory_space<hbm>>) target(%dma_start3A_233 : memref<128x32xf32, #tpu.memory_space<vmem>>) offsets(%dma_start3A_236 : memref<128xi32, #tpu.memory_space<vmem>>) semaphore(%dma_start3A_241 : memref<!tpu.dma_semaphore, #tpu.memory_space<semaphore_mem>>)
    %scan3A = arith.constant 0 : i32
    %scan3A_242 = arith.constant 0 : i32
    %scan3A_243 = arith.constant 10 : i32
    %scan3A_244 = arith.addi %scan3A_242, %scan3A_243 : i32
    %scan3A_245 = arith.constant 1 : i32
    scf.for %scan3A_341 = %scan3A_242 to %scan3A_244 step %scan3A_245  : i32 {
      %mul3A_342 = arith.constant 5 : i32
      %mul3A_343 = arith.muli %scan3A_341, %mul3A_342 : i32
      %add3A_344 = arith.constant 0 : i32
      %add3A_345 = arith.addi %mul3A_343, %add3A_344 : i32
      %add3A_346 = arith.constant 5 : i32
      %add3A_347 = arith.addi %add3A_345, %add3A_346 : i32
      %sub3A = arith.constant 1 : i32
      %sub3A_348 = arith.subi %add3A_347, %sub3A : i32
      %lt3A = arith.constant 50 : i32
      %lt3A_349 = arith.cmpi slt, %sub3A_348, %lt3A : i32
      %convert_element_type3A = arith.extui %lt3A_349 : i1 to i32
      %cond3A = arith.constant 0 : i32
      %cond3A_350 = arith.cmpi ne, %convert_element_type3A, %cond3A : i32
      scf.if %cond3A_350 {
        %ge3A = arith.constant 1 : i32
        %ge3A_575 = arith.cmpi sge, %add3A_345, %ge3A : i32
        %convert_element_type3A_576 = arith.extui %ge3A_575 : i1 to i32
        %cond3A_577 = arith.constant 0 : i32
        %cond3A_578 = arith.cmpi ne, %convert_element_type3A_576, %cond3A_577 : i32
        scf.if %cond3A_578 {
          %sub3A_635 = arith.constant 1 : i32
          %sub3A_636 = arith.subi %add3A_345, %sub3A_635 : i32
          %dma_wait3A_637 = arith.constant 4 : i32
          %dma_wait3A_638 = arith.constant 4 : i32
          %dma_wait3A_639 = arith.constant 0 : i32
          %dma_wait3A_640 = arith.constant 0 : i32
          %dma_wait3A_641 = tpu.memref_slice %arg6[%dma_wait3A_637, %dma_wait3A_639, %dma_wait3A_640] : memref<5x512x32xf32, #tpu.memory_space<vmem>> -> memref<1x512x32xf32, #tpu.memory_space<vmem>>
          %dma_wait3A_642 = tpu.memref_squeeze %dma_wait3A_641 : memref<1x512x32xf32, #tpu.memory_space<vmem>> -> memref<512x32xf32, #tpu.memory_space<vmem>>
          %dma_wait3A_643 = arith.constant 0 : i32
          %dma_wait3A_644 = tpu.memref_slice %arg4[%sub3A_636, %mul3A_2, %dma_wait3A_643] : memref<50x16384x32xf32, #tpu.memory_space<hbm>> -> memref<1x512x32xf32, #tpu.memory_space<hbm>>
          %dma_wait3A_645 = tpu.memref_squeeze %dma_wait3A_644 : memref<1x512x32xf32, #tpu.memory_space<hbm>> -> memref<512x32xf32, #tpu.memory_space<hbm>>
          %dma_wait3A_646 = tpu.memref_slice %arg8[%dma_wait3A_638] : memref<5x!tpu.dma_semaphore, #tpu.memory_space<semaphore_mem>> -> memref<1x!tpu.dma_semaphore, #tpu.memory_space<semaphore_mem>>
          %dma_wait3A_647 = tpu.memref_squeeze %dma_wait3A_646 : memref<1x!tpu.dma_semaphore, #tpu.memory_space<semaphore_mem>> -> memref<!tpu.dma_semaphore, #tpu.memory_space<semaphore_mem>>
          %dma_wait3A_648 = arith.constant 0 : i32
          %dma_wait3A_649 = tpu.memref_slice %arg4[%sub3A_636, %mul3A_2, %dma_wait3A_648] : memref<50x16384x32xf32, #tpu.memory_space<hbm>> -> memref<1x512x32xf32, #tpu.memory_space<hbm>>
          %dma_wait3A_650 = tpu.memref_squeeze %dma_wait3A_649 : memref<1x512x32xf32, #tpu.memory_space<hbm>> -> memref<512x32xf32, #tpu.memory_space<hbm>>
          %dma_wait3A_651 = arith.constant 0 : i32
          %dma_wait3A_652 = arith.constant 0 : i32
          %dma_wait3A_653 = tpu.memref_slice %arg6[%dma_wait3A_637, %dma_wait3A_651, %dma_wait3A_652] : memref<5x512x32xf32, #tpu.memory_space<vmem>> -> memref<1x512x32xf32, #tpu.memory_space<vmem>>
          %dma_wait3A_654 = tpu.memref_squeeze %dma_wait3A_653 : memref<1x512x32xf32, #tpu.memory_space<vmem>> -> memref<512x32xf32, #tpu.memory_space<vmem>>
          tpu.wait_dma2 semaphore(%dma_wait3A_647 : memref<!tpu.dma_semaphore, #tpu.memory_space<semaphore_mem>>) src(%dma_wait3A_654 : memref<512x32xf32, #tpu.memory_space<vmem>>) dst(%dma_wait3A_650 : memref<512x32xf32, #tpu.memory_space<hbm>>)
        } else {
        }
        %dma_start3A_579 = arith.constant 4 : i32
        %dma_start3A_580 = arith.constant 4 : i32
        %dma_start3A_581 = arith.constant 0 : i32
        %dma_start3A_582 = arith.constant 0 : i32
        %dma_start3A_583 = tpu.memref_slice %arg6[%dma_start3A_579, %dma_start3A_581, %dma_start3A_582] : memref<5x512x32xf32, #tpu.memory_space<vmem>> -> memref<1x128x32xf32, #tpu.memory_space<vmem>>
        %dma_start3A_584 = tpu.memref_squeeze %dma_start3A_583 : memref<1x128x32xf32, #tpu.memory_space<vmem>> -> memref<128x32xf32, #tpu.memory_space<vmem>>
        %dma_start3A_585 = arith.constant 0 : i32
        %dma_start3A_586 = tpu.memref_slice %arg5[%sub3A_348, %dma_start3A_585] : memref<50x512xi32, #tpu.memory_space<vmem>> -> memref<1x128xi32, #tpu.memory_space<vmem>>
        %dma_start3A_587 = tpu.memref_squeeze %dma_start3A_586 : memref<1x128xi32, #tpu.memory_space<vmem>> -> memref<128xi32, #tpu.memory_space<vmem>>
        %dma_start3A_588 = arith.constant 0 : i32
        %dma_start3A_589 = arith.constant 0 : i32
        %dma_start3A_590 = tpu.memref_slice %arg3[%dma_start3A_588, %dma_start3A_589] : memref<1000000x32xf32, #tpu.memory_space<hbm>> -> memref<1000000x32xf32, #tpu.memory_space<hbm>>
        %dma_start3A_591 = tpu.memref_slice %arg7[%dma_start3A_580] : memref<5x!tpu.dma_semaphore, #tpu.memory_space<semaphore_mem>> -> memref<1x!tpu.dma_semaphore, #tpu.memory_space<semaphore_mem>>
        %dma_start3A_592 = tpu.memref_squeeze %dma_start3A_591 : memref<1x!tpu.dma_semaphore, #tpu.memory_space<semaphore_mem>> -> memref<!tpu.dma_semaphore, #tpu.memory_space<semaphore_mem>>
        tpu.enqueue_indirect_dma source(%dma_start3A_590 : memref<1000000x32xf32, #tpu.memory_space<hbm>>) target(%dma_start3A_584 : memref<128x32xf32, #tpu.memory_space<vmem>>) offsets(%dma_start3A_587 : memref<128xi32, #tpu.memory_space<vmem>>) semaphore(%dma_start3A_592 : memref<!tpu.dma_semaphore, #tpu.memory_space<semaphore_mem>>)
        %dma_start3A_593 = arith.constant 4 : i32
        %dma_start3A_594 = arith.constant 4 : i32
        %dma_start3A_595 = arith.constant 128 : i32
        %dma_start3A_596 = arith.constant 0 : i32
        %dma_start3A_597 = tpu.memref_slice %arg6[%dma_start3A_593, %dma_start3A_595, %dma_start3A_596] : memref<5x512x32xf32, #tpu.memory_space<vmem>> -> memref<1x128x32xf32, #tpu.memory_space<vmem>>
        %dma_start3A_598 = tpu.memref_squeeze %dma_start3A_597 : memref<1x128x32xf32, #tpu.memory_space<vmem>> -> memref<128x32xf32, #tpu.memory_space<vmem>>
        %dma_start3A_599 = arith.constant 128 : i32
        %dma_start3A_600 = tpu.memref_slice %arg5[%sub3A_348, %dma_start3A_599] : memref<50x512xi32, #tpu.memory_space<vmem>> -> memref<1x128xi32, #tpu.memory_space<vmem>>
        %dma_start3A_601 = tpu.memref_squeeze %dma_start3A_600 : memref<1x128xi32, #tpu.memory_space<vmem>> -> memref<128xi32, #tpu.memory_space<vmem>>
        %dma_start3A_602 = arith.constant 0 : i32
        %dma_start3A_603 = arith.constant 0 : i32
        %dma_start3A_604 = tpu.memref_slice %arg3[%dma_start3A_602, %dma_start3A_603] : memref<1000000x32xf32, #tpu.memory_space<hbm>> -> memref<1000000x32xf32, #tpu.memory_space<hbm>>
        %dma_start3A_605 = tpu.memref_slice %arg7[%dma_start3A_594] : memref<5x!tpu.dma_semaphore, #tpu.memory_space<semaphore_mem>> -> memref<1x!tpu.dma_semaphore, #tpu.memory_space<semaphore_mem>>
        %dma_start3A_606 = tpu.memref_squeeze %dma_start3A_605 : memref<1x!tpu.dma_semaphore, #tpu.memory_space<semaphore_mem>> -> memref<!tpu.dma_semaphore, #tpu.memory_space<semaphore_mem>>
        tpu.enqueue_indirect_dma source(%dma_start3A_604 : memref<1000000x32xf32, #tpu.memory_space<hbm>>) target(%dma_start3A_598 : memref<128x32xf32, #tpu.memory_space<vmem>>) offsets(%dma_start3A_601 : memref<128xi32, #tpu.memory_space<vmem>>) semaphore(%dma_start3A_606 : memref<!tpu.dma_semaphore, #tpu.memory_space<semaphore_mem>>)
        %dma_start3A_607 = arith.constant 4 : i32
        %dma_start3A_608 = arith.constant 4 : i32
        %dma_start3A_609 = arith.constant 256 : i32
        %dma_start3A_610 = arith.constant 0 : i32
        %dma_start3A_611 = tpu.memref_slice %arg6[%dma_start3A_607, %dma_start3A_609, %dma_start3A_610] : memref<5x512x32xf32, #tpu.memory_space<vmem>> -> memref<1x128x32xf32, #tpu.memory_space<vmem>>
        %dma_start3A_612 = tpu.memref_squeeze %dma_start3A_611 : memref<1x128x32xf32, #tpu.memory_space<vmem>> -> memref<128x32xf32, #tpu.memory_space<vmem>>
        %dma_start3A_613 = arith.constant 256 : i32
        %dma_start3A_614 = tpu.memref_slice %arg5[%sub3A_348, %dma_start3A_613] : memref<50x512xi32, #tpu.memory_space<vmem>> -> memref<1x128xi32, #tpu.memory_space<vmem>>
        %dma_start3A_615 = tpu.memref_squeeze %dma_start3A_614 : memref<1x128xi32, #tpu.memory_space<vmem>> -> memref<128xi32, #tpu.memory_space<vmem>>
        %dma_start3A_616 = arith.constant 0 : i32
        %dma_start3A_617 = arith.constant 0 : i32
        %dma_start3A_618 = tpu.memref_slice %arg3[%dma_start3A_616, %dma_start3A_617] : memref<1000000x32xf32, #tpu.memory_space<hbm>> -> memref<1000000x32xf32, #tpu.memory_space<hbm>>
        %dma_start3A_619 = tpu.memref_slice %arg7[%dma_start3A_608] : memref<5x!tpu.dma_semaphore, #tpu.memory_space<semaphore_mem>> -> memref<1x!tpu.dma_semaphore, #tpu.memory_space<semaphore_mem>>
        %dma_start3A_620 = tpu.memref_squeeze %dma_start3A_619 : memref<1x!tpu.dma_semaphore, #tpu.memory_space<semaphore_mem>> -> memref<!tpu.dma_semaphore, #tpu.memory_space<semaphore_mem>>
        tpu.enqueue_indirect_dma source(%dma_start3A_618 : memref<1000000x32xf32, #tpu.memory_space<hbm>>) target(%dma_start3A_612 : memref<128x32xf32, #tpu.memory_space<vmem>>) offsets(%dma_start3A_615 : memref<128xi32, #tpu.memory_space<vmem>>) semaphore(%dma_start3A_620 : memref<!tpu.dma_semaphore, #tpu.memory_space<semaphore_mem>>)
        %dma_start3A_621 = arith.constant 4 : i32
        %dma_start3A_622 = arith.constant 4 : i32
        %dma_start3A_623 = arith.constant 384 : i32
        %dma_start3A_624 = arith.constant 0 : i32
        %dma_start3A_625 = tpu.memref_slice %arg6[%dma_start3A_621, %dma_start3A_623, %dma_start3A_624] : memref<5x512x32xf32, #tpu.memory_space<vmem>> -> memref<1x128x32xf32, #tpu.memory_space<vmem>>
        %dma_start3A_626 = tpu.memref_squeeze %dma_start3A_625 : memref<1x128x32xf32, #tpu.memory_space<vmem>> -> memref<128x32xf32, #tpu.memory_space<vmem>>
        %dma_start3A_627 = arith.constant 384 : i32
        %dma_start3A_628 = tpu.memref_slice %arg5[%sub3A_348, %dma_start3A_627] : memref<50x512xi32, #tpu.memory_space<vmem>> -> memref<1x128xi32, #tpu.memory_space<vmem>>
        %dma_start3A_629 = tpu.memref_squeeze %dma_start3A_628 : memref<1x128xi32, #tpu.memory_space<vmem>> -> memref<128xi32, #tpu.memory_space<vmem>>
        %dma_start3A_630 = arith.constant 0 : i32
        %dma_start3A_631 = arith.constant 0 : i32
        %dma_start3A_632 = tpu.memref_slice %arg3[%dma_start3A_630, %dma_start3A_631] : memref<1000000x32xf32, #tpu.memory_space<hbm>> -> memref<1000000x32xf32, #tpu.memory_space<hbm>>
        %dma_start3A_633 = tpu.memref_slice %arg7[%dma_start3A_622] : memref<5x!tpu.dma_semaphore, #tpu.memory_space<semaphore_mem>> -> memref<1x!tpu.dma_semaphore, #tpu.memory_space<semaphore_mem>>
        %dma_start3A_634 = tpu.memref_squeeze %dma_start3A_633 : memref<1x!tpu.dma_semaphore, #tpu.memory_space<semaphore_mem>> -> memref<!tpu.dma_semaphore, #tpu.memory_space<semaphore_mem>>
        tpu.enqueue_indirect_dma source(%dma_start3A_632 : memref<1000000x32xf32, #tpu.memory_space<hbm>>) target(%dma_start3A_626 : memref<128x32xf32, #tpu.memory_space<vmem>>) offsets(%dma_start3A_629 : memref<128xi32, #tpu.memory_space<vmem>>) semaphore(%dma_start3A_634 : memref<!tpu.dma_semaphore, #tpu.memory_space<semaphore_mem>>)
      } else {
      }
      %dma_wait3A_351 = arith.constant 0 : i32
      %dma_wait3A_352 = arith.constant 0 : i32
      %dma_wait3A_353 = arith.constant 0 : i32
      %dma_wait3A_354 = arith.constant 0 : i32
      %dma_wait3A_355 = tpu.memref_slice %arg6[%dma_wait3A_351, %dma_wait3A_353, %dma_wait3A_354] : memref<5x512x32xf32, #tpu.memory_space<vmem>> -> memref<1x512x32xf32, #tpu.memory_space<vmem>>
      %dma_wait3A_356 = tpu.memref_squeeze %dma_wait3A_355 : memref<1x512x32xf32, #tpu.memory_space<vmem>> -> memref<512x32xf32, #tpu.memory_space<vmem>>
      %dma_wait3A_357 = arith.constant 0 : i32
      %dma_wait3A_358 = tpu.memref_slice %arg4[%add3A_345, %mul3A_2, %dma_wait3A_357] : memref<50x16384x32xf32, #tpu.memory_space<hbm>> -> memref<1x512x32xf32, #tpu.memory_space<hbm>>
      %dma_wait3A_359 = tpu.memref_squeeze %dma_wait3A_358 : memref<1x512x32xf32, #tpu.memory_space<hbm>> -> memref<512x32xf32, #tpu.memory_space<hbm>>
      %dma_wait3A_360 = tpu.memref_slice %arg7[%dma_wait3A_352] : memref<5x!tpu.dma_semaphore, #tpu.memory_space<semaphore_mem>> -> memref<1x!tpu.dma_semaphore, #tpu.memory_space<semaphore_mem>>
      %dma_wait3A_361 = tpu.memref_squeeze %dma_wait3A_360 : memref<1x!tpu.dma_semaphore, #tpu.memory_space<semaphore_mem>> -> memref<!tpu.dma_semaphore, #tpu.memory_space<semaphore_mem>>
      %dma_wait3A_362 = arith.constant 0 : i32
      %dma_wait3A_363 = arith.constant 0 : i32
      %dma_wait3A_364 = tpu.memref_slice %arg6[%dma_wait3A_351, %dma_wait3A_362, %dma_wait3A_363] : memref<5x512x32xf32, #tpu.memory_space<vmem>> -> memref<1x512x32xf32, #tpu.memory_space<vmem>>
      %dma_wait3A_365 = tpu.memref_squeeze %dma_wait3A_364 : memref<1x512x32xf32, #tpu.memory_space<vmem>> -> memref<512x32xf32, #tpu.memory_space<vmem>>
      %dma_wait3A_366 = arith.constant 0 : i32
      %dma_wait3A_367 = tpu.memref_slice %arg4[%add3A_345, %mul3A_2, %dma_wait3A_366] : memref<50x16384x32xf32, #tpu.memory_space<hbm>> -> memref<1x512x32xf32, #tpu.memory_space<hbm>>
      %dma_wait3A_368 = tpu.memref_squeeze %dma_wait3A_367 : memref<1x512x32xf32, #tpu.memory_space<hbm>> -> memref<512x32xf32, #tpu.memory_space<hbm>>
      tpu.wait_dma2 semaphore(%dma_wait3A_361 : memref<!tpu.dma_semaphore, #tpu.memory_space<semaphore_mem>>) src(%dma_wait3A_368 : memref<512x32xf32, #tpu.memory_space<hbm>>) dst(%dma_wait3A_365 : memref<512x32xf32, #tpu.memory_space<vmem>>)
      %dma_start3A_369 = arith.constant 0 : i32
      %dma_start3A_370 = arith.constant 0 : i32
      %dma_start3A_371 = arith.constant 0 : i32
      %dma_start3A_372 = arith.constant 0 : i32
      %dma_start3A_373 = tpu.memref_slice %arg6[%dma_start3A_369, %dma_start3A_371, %dma_start3A_372] : memref<5x512x32xf32, #tpu.memory_space<vmem>> -> memref<1x512x32xf32, #tpu.memory_space<vmem>>
      %dma_start3A_374 = tpu.memref_squeeze %dma_start3A_373 : memref<1x512x32xf32, #tpu.memory_space<vmem>> -> memref<512x32xf32, #tpu.memory_space<vmem>>
      %dma_start3A_375 = arith.constant 0 : i32
      %dma_start3A_376 = tpu.memref_slice %arg4[%add3A_345, %mul3A_2, %dma_start3A_375] : memref<50x16384x32xf32, #tpu.memory_space<hbm>> -> memref<1x512x32xf32, #tpu.memory_space<hbm>>
      %dma_start3A_377 = tpu.memref_squeeze %dma_start3A_376 : memref<1x512x32xf32, #tpu.memory_space<hbm>> -> memref<512x32xf32, #tpu.memory_space<hbm>>
      %dma_start3A_378 = tpu.memref_slice %arg8[%dma_start3A_370] : memref<5x!tpu.dma_semaphore, #tpu.memory_space<semaphore_mem>> -> memref<1x!tpu.dma_semaphore, #tpu.memory_space<semaphore_mem>>
      %dma_start3A_379 = tpu.memref_squeeze %dma_start3A_378 : memref<1x!tpu.dma_semaphore, #tpu.memory_space<semaphore_mem>> -> memref<!tpu.dma_semaphore, #tpu.memory_space<semaphore_mem>>
      %dma_start3A_380 = arith.constant 0 : i32
      %dma_start3A_381 = tpu.memref_slice %arg4[%add3A_345, %mul3A_2, %dma_start3A_380] : memref<50x16384x32xf32, #tpu.memory_space<hbm>> -> memref<1x512x32xf32, #tpu.memory_space<hbm>>
      %dma_start3A_382 = tpu.memref_squeeze %dma_start3A_381 : memref<1x512x32xf32, #tpu.memory_space<hbm>> -> memref<512x32xf32, #tpu.memory_space<hbm>>
      %dma_start3A_383 = arith.constant 0 : i32
      %dma_start3A_384 = arith.constant 0 : i32
      %dma_start3A_385 = tpu.memref_slice %arg6[%dma_start3A_369, %dma_start3A_383, %dma_start3A_384] : memref<5x512x32xf32, #tpu.memory_space<vmem>> -> memref<1x512x32xf32, #tpu.memory_space<vmem>>
      %dma_start3A_386 = tpu.memref_squeeze %dma_start3A_385 : memref<1x512x32xf32, #tpu.memory_space<vmem>> -> memref<512x32xf32, #tpu.memory_space<vmem>>
      tpu.enqueue_dma source(%dma_start3A_386 : memref<512x32xf32, #tpu.memory_space<vmem>>) target(%dma_start3A_382 : memref<512x32xf32, #tpu.memory_space<hbm>>) target_semaphore(%dma_start3A_379 : memref<!tpu.dma_semaphore, #tpu.memory_space<semaphore_mem>>)
      %add3A_387 = arith.constant 1 : i32
      %add3A_388 = arith.addi %mul3A_343, %add3A_387 : i32
      %add3A_389 = arith.constant 5 : i32
      %add3A_390 = arith.addi %add3A_388, %add3A_389 : i32
      %sub3A_391 = arith.constant 1 : i32
      %sub3A_392 = arith.subi %add3A_390, %sub3A_391 : i32
      %lt3A_393 = arith.constant 50 : i32
      %lt3A_394 = arith.cmpi slt, %sub3A_392, %lt3A_393 : i32
      %convert_element_type3A_395 = arith.extui %lt3A_394 : i1 to i32
      %cond3A_396 = arith.constant 0 : i32
      %cond3A_397 = arith.cmpi ne, %convert_element_type3A_395, %cond3A_396 : i32
      scf.if %cond3A_397 {
        %sub3A_575 = arith.constant 1 : i32
        %sub3A_576 = arith.subi %add3A_388, %sub3A_575 : i32
        %dma_wait3A_577 = arith.constant 0 : i32
        %dma_wait3A_578 = arith.constant 0 : i32
        %dma_wait3A_579 = arith.constant 0 : i32
        %dma_wait3A_580 = arith.constant 0 : i32
        %dma_wait3A_581 = tpu.memref_slice %arg6[%dma_wait3A_577, %dma_wait3A_579, %dma_wait3A_580] : memref<5x512x32xf32, #tpu.memory_space<vmem>> -> memref<1x512x32xf32, #tpu.memory_space<vmem>>
        %dma_wait3A_582 = tpu.memref_squeeze %dma_wait3A_581 : memref<1x512x32xf32, #tpu.memory_space<vmem>> -> memref<512x32xf32, #tpu.memory_space<vmem>>
        %dma_wait3A_583 = arith.constant 0 : i32
        %dma_wait3A_584 = tpu.memref_slice %arg4[%sub3A_576, %mul3A_2, %dma_wait3A_583] : memref<50x16384x32xf32, #tpu.memory_space<hbm>> -> memref<1x512x32xf32, #tpu.memory_space<hbm>>
        %dma_wait3A_585 = tpu.memref_squeeze %dma_wait3A_584 : memref<1x512x32xf32, #tpu.memory_space<hbm>> -> memref<512x32xf32, #tpu.memory_space<hbm>>
        %dma_wait3A_586 = tpu.memref_slice %arg8[%dma_wait3A_578] : memref<5x!tpu.dma_semaphore, #tpu.memory_space<semaphore_mem>> -> memref<1x!tpu.dma_semaphore, #tpu.memory_space<semaphore_mem>>
        %dma_wait3A_587 = tpu.memref_squeeze %dma_wait3A_586 : memref<1x!tpu.dma_semaphore, #tpu.memory_space<semaphore_mem>> -> memref<!tpu.dma_semaphore, #tpu.memory_space<semaphore_mem>>
        %dma_wait3A_588 = arith.constant 0 : i32
        %dma_wait3A_589 = tpu.memref_slice %arg4[%sub3A_576, %mul3A_2, %dma_wait3A_588] : memref<50x16384x32xf32, #tpu.memory_space<hbm>> -> memref<1x512x32xf32, #tpu.memory_space<hbm>>
        %dma_wait3A_590 = tpu.memref_squeeze %dma_wait3A_589 : memref<1x512x32xf32, #tpu.memory_space<hbm>> -> memref<512x32xf32, #tpu.memory_space<hbm>>
        %dma_wait3A_591 = arith.constant 0 : i32
        %dma_wait3A_592 = arith.constant 0 : i32
        %dma_wait3A_593 = tpu.memref_slice %arg6[%dma_wait3A_577, %dma_wait3A_591, %dma_wait3A_592] : memref<5x512x32xf32, #tpu.memory_space<vmem>> -> memref<1x512x32xf32, #tpu.memory_space<vmem>>
        %dma_wait3A_594 = tpu.memref_squeeze %dma_wait3A_593 : memref<1x512x32xf32, #tpu.memory_space<vmem>> -> memref<512x32xf32, #tpu.memory_space<vmem>>
        tpu.wait_dma2 semaphore(%dma_wait3A_587 : memref<!tpu.dma_semaphore, #tpu.memory_space<semaphore_mem>>) src(%dma_wait3A_594 : memref<512x32xf32, #tpu.memory_space<vmem>>) dst(%dma_wait3A_590 : memref<512x32xf32, #tpu.memory_space<hbm>>)
        %dma_start3A_595 = arith.constant 0 : i32
        %dma_start3A_596 = arith.constant 0 : i32
        %dma_start3A_597 = arith.constant 0 : i32
        %dma_start3A_598 = arith.constant 0 : i32
        %dma_start3A_599 = tpu.memref_slice %arg6[%dma_start3A_595, %dma_start3A_597, %dma_start3A_598] : memref<5x512x32xf32, #tpu.memory_space<vmem>> -> memref<1x128x32xf32, #tpu.memory_space<vmem>>
        %dma_start3A_600 = tpu.memref_squeeze %dma_start3A_599 : memref<1x128x32xf32, #tpu.memory_space<vmem>> -> memref<128x32xf32, #tpu.memory_space<vmem>>
        %dma_start3A_601 = arith.constant 0 : i32
        %dma_start3A_602 = tpu.memref_slice %arg5[%sub3A_392, %dma_start3A_601] : memref<50x512xi32, #tpu.memory_space<vmem>> -> memref<1x128xi32, #tpu.memory_space<vmem>>
        %dma_start3A_603 = tpu.memref_squeeze %dma_start3A_602 : memref<1x128xi32, #tpu.memory_space<vmem>> -> memref<128xi32, #tpu.memory_space<vmem>>
        %dma_start3A_604 = arith.constant 0 : i32
        %dma_start3A_605 = arith.constant 0 : i32
        %dma_start3A_606 = tpu.memref_slice %arg3[%dma_start3A_604, %dma_start3A_605] : memref<1000000x32xf32, #tpu.memory_space<hbm>> -> memref<1000000x32xf32, #tpu.memory_space<hbm>>
        %dma_start3A_607 = tpu.memref_slice %arg7[%dma_start3A_596] : memref<5x!tpu.dma_semaphore, #tpu.memory_space<semaphore_mem>> -> memref<1x!tpu.dma_semaphore, #tpu.memory_space<semaphore_mem>>
        %dma_start3A_608 = tpu.memref_squeeze %dma_start3A_607 : memref<1x!tpu.dma_semaphore, #tpu.memory_space<semaphore_mem>> -> memref<!tpu.dma_semaphore, #tpu.memory_space<semaphore_mem>>
        tpu.enqueue_indirect_dma source(%dma_start3A_606 : memref<1000000x32xf32, #tpu.memory_space<hbm>>) target(%dma_start3A_600 : memref<128x32xf32, #tpu.memory_space<vmem>>) offsets(%dma_start3A_603 : memref<128xi32, #tpu.memory_space<vmem>>) semaphore(%dma_start3A_608 : memref<!tpu.dma_semaphore, #tpu.memory_space<semaphore_mem>>)
        %dma_start3A_609 = arith.constant 0 : i32
        %dma_start3A_610 = arith.constant 0 : i32
        %dma_start3A_611 = arith.constant 128 : i32
        %dma_start3A_612 = arith.constant 0 : i32
        %dma_start3A_613 = tpu.memref_slice %arg6[%dma_start3A_609, %dma_start3A_611, %dma_start3A_612] : memref<5x512x32xf32, #tpu.memory_space<vmem>> -> memref<1x128x32xf32, #tpu.memory_space<vmem>>
        %dma_start3A_614 = tpu.memref_squeeze %dma_start3A_613 : memref<1x128x32xf32, #tpu.memory_space<vmem>> -> memref<128x32xf32, #tpu.memory_space<vmem>>
        %dma_start3A_615 = arith.constant 128 : i32
        %dma_start3A_616 = tpu.memref_slice %arg5[%sub3A_392, %dma_start3A_615] : memref<50x512xi32, #tpu.memory_space<vmem>> -> memref<1x128xi32, #tpu.memory_space<vmem>>
        %dma_start3A_617 = tpu.memref_squeeze %dma_start3A_616 : memref<1x128xi32, #tpu.memory_space<vmem>> -> memref<128xi32, #tpu.memory_space<vmem>>
        %dma_start3A_618 = arith.constant 0 : i32
        %dma_start3A_619 = arith.constant 0 : i32
        %dma_start3A_620 = tpu.memref_slice %arg3[%dma_start3A_618, %dma_start3A_619] : memref<1000000x32xf32, #tpu.memory_space<hbm>> -> memref<1000000x32xf32, #tpu.memory_space<hbm>>
        %dma_start3A_621 = tpu.memref_slice %arg7[%dma_start3A_610] : memref<5x!tpu.dma_semaphore, #tpu.memory_space<semaphore_mem>> -> memref<1x!tpu.dma_semaphore, #tpu.memory_space<semaphore_mem>>
        %dma_start3A_622 = tpu.memref_squeeze %dma_start3A_621 : memref<1x!tpu.dma_semaphore, #tpu.memory_space<semaphore_mem>> -> memref<!tpu.dma_semaphore, #tpu.memory_space<semaphore_mem>>
        tpu.enqueue_indirect_dma source(%dma_start3A_620 : memref<1000000x32xf32, #tpu.memory_space<hbm>>) target(%dma_start3A_614 : memref<128x32xf32, #tpu.memory_space<vmem>>) offsets(%dma_start3A_617 : memref<128xi32, #tpu.memory_space<vmem>>) semaphore(%dma_start3A_622 : memref<!tpu.dma_semaphore, #tpu.memory_space<semaphore_mem>>)
        %dma_start3A_623 = arith.constant 0 : i32
        %dma_start3A_624 = arith.constant 0 : i32
        %dma_start3A_625 = arith.constant 256 : i32
        %dma_start3A_626 = arith.constant 0 : i32
        %dma_start3A_627 = tpu.memref_slice %arg6[%dma_start3A_623, %dma_start3A_625, %dma_start3A_626] : memref<5x512x32xf32, #tpu.memory_space<vmem>> -> memref<1x128x32xf32, #tpu.memory_space<vmem>>
        %dma_start3A_628 = tpu.memref_squeeze %dma_start3A_627 : memref<1x128x32xf32, #tpu.memory_space<vmem>> -> memref<128x32xf32, #tpu.memory_space<vmem>>
        %dma_start3A_629 = arith.constant 256 : i32
        %dma_start3A_630 = tpu.memref_slice %arg5[%sub3A_392, %dma_start3A_629] : memref<50x512xi32, #tpu.memory_space<vmem>> -> memref<1x128xi32, #tpu.memory_space<vmem>>
        %dma_start3A_631 = tpu.memref_squeeze %dma_start3A_630 : memref<1x128xi32, #tpu.memory_space<vmem>> -> memref<128xi32, #tpu.memory_space<vmem>>
        %dma_start3A_632 = arith.constant 0 : i32
        %dma_start3A_633 = arith.constant 0 : i32
        %dma_start3A_634 = tpu.memref_slice %arg3[%dma_start3A_632, %dma_start3A_633] : memref<1000000x32xf32, #tpu.memory_space<hbm>> -> memref<1000000x32xf32, #tpu.memory_space<hbm>>
        %dma_start3A_635 = tpu.memref_slice %arg7[%dma_start3A_624] : memref<5x!tpu.dma_semaphore, #tpu.memory_space<semaphore_mem>> -> memref<1x!tpu.dma_semaphore, #tpu.memory_space<semaphore_mem>>
        %dma_start3A_636 = tpu.memref_squeeze %dma_start3A_635 : memref<1x!tpu.dma_semaphore, #tpu.memory_space<semaphore_mem>> -> memref<!tpu.dma_semaphore, #tpu.memory_space<semaphore_mem>>
        tpu.enqueue_indirect_dma source(%dma_start3A_634 : memref<1000000x32xf32, #tpu.memory_space<hbm>>) target(%dma_start3A_628 : memref<128x32xf32, #tpu.memory_space<vmem>>) offsets(%dma_start3A_631 : memref<128xi32, #tpu.memory_space<vmem>>) semaphore(%dma_start3A_636 : memref<!tpu.dma_semaphore, #tpu.memory_space<semaphore_mem>>)
        %dma_start3A_637 = arith.constant 0 : i32
        %dma_start3A_638 = arith.constant 0 : i32
        %dma_start3A_639 = arith.constant 384 : i32
        %dma_start3A_640 = arith.constant 0 : i32
        %dma_start3A_641 = tpu.memref_slice %arg6[%dma_start3A_637, %dma_start3A_639, %dma_start3A_640] : memref<5x512x32xf32, #tpu.memory_space<vmem>> -> memref<1x128x32xf32, #tpu.memory_space<vmem>>
        %dma_start3A_642 = tpu.memref_squeeze %dma_start3A_641 : memref<1x128x32xf32, #tpu.memory_space<vmem>> -> memref<128x32xf32, #tpu.memory_space<vmem>>
        %dma_start3A_643 = arith.constant 384 : i32
        %dma_start3A_644 = tpu.memref_slice %arg5[%sub3A_392, %dma_start3A_643] : memref<50x512xi32, #tpu.memory_space<vmem>> -> memref<1x128xi32, #tpu.memory_space<vmem>>
        %dma_start3A_645 = tpu.memref_squeeze %dma_start3A_644 : memref<1x128xi32, #tpu.memory_space<vmem>> -> memref<128xi32, #tpu.memory_space<vmem>>
        %dma_start3A_646 = arith.constant 0 : i32
        %dma_start3A_647 = arith.constant 0 : i32
        %dma_start3A_648 = tpu.memref_slice %arg3[%dma_start3A_646, %dma_start3A_647] : memref<1000000x32xf32, #tpu.memory_space<hbm>> -> memref<1000000x32xf32, #tpu.memory_space<hbm>>
        %dma_start3A_649 = tpu.memref_slice %arg7[%dma_start3A_638] : memref<5x!tpu.dma_semaphore, #tpu.memory_space<semaphore_mem>> -> memref<1x!tpu.dma_semaphore, #tpu.memory_space<semaphore_mem>>
        %dma_start3A_650 = tpu.memref_squeeze %dma_start3A_649 : memref<1x!tpu.dma_semaphore, #tpu.memory_space<semaphore_mem>> -> memref<!tpu.dma_semaphore, #tpu.memory_space<semaphore_mem>>
        tpu.enqueue_indirect_dma source(%dma_start3A_648 : memref<1000000x32xf32, #tpu.memory_space<hbm>>) target(%dma_start3A_642 : memref<128x32xf32, #tpu.memory_space<vmem>>) offsets(%dma_start3A_645 : memref<128xi32, #tpu.memory_space<vmem>>) semaphore(%dma_start3A_650 : memref<!tpu.dma_semaphore, #tpu.memory_space<semaphore_mem>>)
      } else {
      }
      %dma_wait3A_398 = arith.constant 1 : i32
      %dma_wait3A_399 = arith.constant 1 : i32
      %dma_wait3A_400 = arith.constant 0 : i32
      %dma_wait3A_401 = arith.constant 0 : i32
      %dma_wait3A_402 = tpu.memref_slice %arg6[%dma_wait3A_398, %dma_wait3A_400, %dma_wait3A_401] : memref<5x512x32xf32, #tpu.memory_space<vmem>> -> memref<1x512x32xf32, #tpu.memory_space<vmem>>
      %dma_wait3A_403 = tpu.memref_squeeze %dma_wait3A_402 : memref<1x512x32xf32, #tpu.memory_space<vmem>> -> memref<512x32xf32, #tpu.memory_space<vmem>>
      %dma_wait3A_404 = arith.constant 0 : i32
      %dma_wait3A_405 = tpu.memref_slice %arg4[%add3A_388, %mul3A_2, %dma_wait3A_404] : memref<50x16384x32xf32, #tpu.memory_space<hbm>> -> memref<1x512x32xf32, #tpu.memory_space<hbm>>
      %dma_wait3A_406 = tpu.memref_squeeze %dma_wait3A_405 : memref<1x512x32xf32, #tpu.memory_space<hbm>> -> memref<512x32xf32, #tpu.memory_space<hbm>>
      %dma_wait3A_407 = tpu.memref_slice %arg7[%dma_wait3A_399] : memref<5x!tpu.dma_semaphore, #tpu.memory_space<semaphore_mem>> -> memref<1x!tpu.dma_semaphore, #tpu.memory_space<semaphore_mem>>
      %dma_wait3A_408 = tpu.memref_squeeze %dma_wait3A_407 : memref<1x!tpu.dma_semaphore, #tpu.memory_space<semaphore_mem>> -> memref<!tpu.dma_semaphore, #tpu.memory_space<semaphore_mem>>
      %dma_wait3A_409 = arith.constant 0 : i32
      %dma_wait3A_410 = arith.constant 0 : i32
      %dma_wait3A_411 = tpu.memref_slice %arg6[%dma_wait3A_398, %dma_wait3A_409, %dma_wait3A_410] : memref<5x512x32xf32, #tpu.memory_space<vmem>> -> memref<1x512x32xf32, #tpu.memory_space<vmem>>
      %dma_wait3A_412 = tpu.memref_squeeze %dma_wait3A_411 : memref<1x512x32xf32, #tpu.memory_space<vmem>> -> memref<512x32xf32, #tpu.memory_space<vmem>>
      %dma_wait3A_413 = arith.constant 0 : i32
      %dma_wait3A_414 = tpu.memref_slice %arg4[%add3A_388, %mul3A_2, %dma_wait3A_413] : memref<50x16384x32xf32, #tpu.memory_space<hbm>> -> memref<1x512x32xf32, #tpu.memory_space<hbm>>
      %dma_wait3A_415 = tpu.memref_squeeze %dma_wait3A_414 : memref<1x512x32xf32, #tpu.memory_space<hbm>> -> memref<512x32xf32, #tpu.memory_space<hbm>>
      tpu.wait_dma2 semaphore(%dma_wait3A_408 : memref<!tpu.dma_semaphore, #tpu.memory_space<semaphore_mem>>) src(%dma_wait3A_415 : memref<512x32xf32, #tpu.memory_space<hbm>>) dst(%dma_wait3A_412 : memref<512x32xf32, #tpu.memory_space<vmem>>)
      %dma_start3A_416 = arith.constant 1 : i32
      %dma_start3A_417 = arith.constant 1 : i32
      %dma_start3A_418 = arith.constant 0 : i32
      %dma_start3A_419 = arith.constant 0 : i32
      %dma_start3A_420 = tpu.memref_slice %arg6[%dma_start3A_416, %dma_start3A_418, %dma_start3A_419] : memref<5x512x32xf32, #tpu.memory_space<vmem>> -> memref<1x512x32xf32, #tpu.memory_space<vmem>>
      %dma_start3A_421 = tpu.memref_squeeze %dma_start3A_420 : memref<1x512x32xf32, #tpu.memory_space<vmem>> -> memref<512x32xf32, #tpu.memory_space<vmem>>
      %dma_start3A_422 = arith.constant 0 : i32
      %dma_start3A_423 = tpu.memref_slice %arg4[%add3A_388, %mul3A_2, %dma_start3A_422] : memref<50x16384x32xf32, #tpu.memory_space<hbm>> -> memref<1x512x32xf32, #tpu.memory_space<hbm>>
      %dma_start3A_424 = tpu.memref_squeeze %dma_start3A_423 : memref<1x512x32xf32, #tpu.memory_space<hbm>> -> memref<512x32xf32, #tpu.memory_space<hbm>>
      %dma_start3A_425 = tpu.memref_slice %arg8[%dma_start3A_417] : memref<5x!tpu.dma_semaphore, #tpu.memory_space<semaphore_mem>> -> memref<1x!tpu.dma_semaphore, #tpu.memory_space<semaphore_mem>>
      %dma_start3A_426 = tpu.memref_squeeze %dma_start3A_425 : memref<1x!tpu.dma_semaphore, #tpu.memory_space<semaphore_mem>> -> memref<!tpu.dma_semaphore, #tpu.memory_space<semaphore_mem>>
      %dma_start3A_427 = arith.constant 0 : i32
      %dma_start3A_428 = tpu.memref_slice %arg4[%add3A_388, %mul3A_2, %dma_start3A_427] : memref<50x16384x32xf32, #tpu.memory_space<hbm>> -> memref<1x512x32xf32, #tpu.memory_space<hbm>>
      %dma_start3A_429 = tpu.memref_squeeze %dma_start3A_428 : memref<1x512x32xf32, #tpu.memory_space<hbm>> -> memref<512x32xf32, #tpu.memory_space<hbm>>
      %dma_start3A_430 = arith.constant 0 : i32
      %dma_start3A_431 = arith.constant 0 : i32
      %dma_start3A_432 = tpu.memref_slice %arg6[%dma_start3A_416, %dma_start3A_430, %dma_start3A_431] : memref<5x512x32xf32, #tpu.memory_space<vmem>> -> memref<1x512x32xf32, #tpu.memory_space<vmem>>
      %dma_start3A_433 = tpu.memref_squeeze %dma_start3A_432 : memref<1x512x32xf32, #tpu.memory_space<vmem>> -> memref<512x32xf32, #tpu.memory_space<vmem>>
      tpu.enqueue_dma source(%dma_start3A_433 : memref<512x32xf32, #tpu.memory_space<vmem>>) target(%dma_start3A_429 : memref<512x32xf32, #tpu.memory_space<hbm>>) target_semaphore(%dma_start3A_426 : memref<!tpu.dma_semaphore, #tpu.memory_space<semaphore_mem>>)
      %add3A_434 = arith.constant 2 : i32
      %add3A_435 = arith.addi %mul3A_343, %add3A_434 : i32
      %add3A_436 = arith.constant 5 : i32
      %add3A_437 = arith.addi %add3A_435, %add3A_436 : i32
      %sub3A_438 = arith.constant 1 : i32
      %sub3A_439 = arith.subi %add3A_437, %sub3A_438 : i32
      %lt3A_440 = arith.constant 50 : i32
      %lt3A_441 = arith.cmpi slt, %sub3A_439, %lt3A_440 : i32
      %convert_element_type3A_442 = arith.extui %lt3A_441 : i1 to i32
      %cond3A_443 = arith.constant 0 : i32
      %cond3A_444 = arith.cmpi ne, %convert_element_type3A_442, %cond3A_443 : i32
      scf.if %cond3A_444 {
        %sub3A_575 = arith.constant 1 : i32
        %sub3A_576 = arith.subi %add3A_435, %sub3A_575 : i32
        %dma_wait3A_577 = arith.constant 1 : i32
        %dma_wait3A_578 = arith.constant 1 : i32
        %dma_wait3A_579 = arith.constant 0 : i32
        %dma_wait3A_580 = arith.constant 0 : i32
        %dma_wait3A_581 = tpu.memref_slice %arg6[%dma_wait3A_577, %dma_wait3A_579, %dma_wait3A_580] : memref<5x512x32xf32, #tpu.memory_space<vmem>> -> memref<1x512x32xf32, #tpu.memory_space<vmem>>
        %dma_wait3A_582 = tpu.memref_squeeze %dma_wait3A_581 : memref<1x512x32xf32, #tpu.memory_space<vmem>> -> memref<512x32xf32, #tpu.memory_space<vmem>>
        %dma_wait3A_583 = arith.constant 0 : i32
        %dma_wait3A_584 = tpu.memref_slice %arg4[%sub3A_576, %mul3A_2, %dma_wait3A_583] : memref<50x16384x32xf32, #tpu.memory_space<hbm>> -> memref<1x512x32xf32, #tpu.memory_space<hbm>>
        %dma_wait3A_585 = tpu.memref_squeeze %dma_wait3A_584 : memref<1x512x32xf32, #tpu.memory_space<hbm>> -> memref<512x32xf32, #tpu.memory_space<hbm>>
        %dma_wait3A_586 = tpu.memref_slice %arg8[%dma_wait3A_578] : memref<5x!tpu.dma_semaphore, #tpu.memory_space<semaphore_mem>> -> memref<1x!tpu.dma_semaphore, #tpu.memory_space<semaphore_mem>>
        %dma_wait3A_587 = tpu.memref_squeeze %dma_wait3A_586 : memref<1x!tpu.dma_semaphore, #tpu.memory_space<semaphore_mem>> -> memref<!tpu.dma_semaphore, #tpu.memory_space<semaphore_mem>>
        %dma_wait3A_588 = arith.constant 0 : i32
        %dma_wait3A_589 = tpu.memref_slice %arg4[%sub3A_576, %mul3A_2, %dma_wait3A_588] : memref<50x16384x32xf32, #tpu.memory_space<hbm>> -> memref<1x512x32xf32, #tpu.memory_space<hbm>>
        %dma_wait3A_590 = tpu.memref_squeeze %dma_wait3A_589 : memref<1x512x32xf32, #tpu.memory_space<hbm>> -> memref<512x32xf32, #tpu.memory_space<hbm>>
        %dma_wait3A_591 = arith.constant 0 : i32
        %dma_wait3A_592 = arith.constant 0 : i32
        %dma_wait3A_593 = tpu.memref_slice %arg6[%dma_wait3A_577, %dma_wait3A_591, %dma_wait3A_592] : memref<5x512x32xf32, #tpu.memory_space<vmem>> -> memref<1x512x32xf32, #tpu.memory_space<vmem>>
        %dma_wait3A_594 = tpu.memref_squeeze %dma_wait3A_593 : memref<1x512x32xf32, #tpu.memory_space<vmem>> -> memref<512x32xf32, #tpu.memory_space<vmem>>
        tpu.wait_dma2 semaphore(%dma_wait3A_587 : memref<!tpu.dma_semaphore, #tpu.memory_space<semaphore_mem>>) src(%dma_wait3A_594 : memref<512x32xf32, #tpu.memory_space<vmem>>) dst(%dma_wait3A_590 : memref<512x32xf32, #tpu.memory_space<hbm>>)
        %dma_start3A_595 = arith.constant 1 : i32
        %dma_start3A_596 = arith.constant 1 : i32
        %dma_start3A_597 = arith.constant 0 : i32
        %dma_start3A_598 = arith.constant 0 : i32
        %dma_start3A_599 = tpu.memref_slice %arg6[%dma_start3A_595, %dma_start3A_597, %dma_start3A_598] : memref<5x512x32xf32, #tpu.memory_space<vmem>> -> memref<1x128x32xf32, #tpu.memory_space<vmem>>
        %dma_start3A_600 = tpu.memref_squeeze %dma_start3A_599 : memref<1x128x32xf32, #tpu.memory_space<vmem>> -> memref<128x32xf32, #tpu.memory_space<vmem>>
        %dma_start3A_601 = arith.constant 0 : i32
        %dma_start3A_602 = tpu.memref_slice %arg5[%sub3A_439, %dma_start3A_601] : memref<50x512xi32, #tpu.memory_space<vmem>> -> memref<1x128xi32, #tpu.memory_space<vmem>>
        %dma_start3A_603 = tpu.memref_squeeze %dma_start3A_602 : memref<1x128xi32, #tpu.memory_space<vmem>> -> memref<128xi32, #tpu.memory_space<vmem>>
        %dma_start3A_604 = arith.constant 0 : i32
        %dma_start3A_605 = arith.constant 0 : i32
        %dma_start3A_606 = tpu.memref_slice %arg3[%dma_start3A_604, %dma_start3A_605] : memref<1000000x32xf32, #tpu.memory_space<hbm>> -> memref<1000000x32xf32, #tpu.memory_space<hbm>>
        %dma_start3A_607 = tpu.memref_slice %arg7[%dma_start3A_596] : memref<5x!tpu.dma_semaphore, #tpu.memory_space<semaphore_mem>> -> memref<1x!tpu.dma_semaphore, #tpu.memory_space<semaphore_mem>>
        %dma_start3A_608 = tpu.memref_squeeze %dma_start3A_607 : memref<1x!tpu.dma_semaphore, #tpu.memory_space<semaphore_mem>> -> memref<!tpu.dma_semaphore, #tpu.memory_space<semaphore_mem>>
        tpu.enqueue_indirect_dma source(%dma_start3A_606 : memref<1000000x32xf32, #tpu.memory_space<hbm>>) target(%dma_start3A_600 : memref<128x32xf32, #tpu.memory_space<vmem>>) offsets(%dma_start3A_603 : memref<128xi32, #tpu.memory_space<vmem>>) semaphore(%dma_start3A_608 : memref<!tpu.dma_semaphore, #tpu.memory_space<semaphore_mem>>)
        %dma_start3A_609 = arith.constant 1 : i32
        %dma_start3A_610 = arith.constant 1 : i32
        %dma_start3A_611 = arith.constant 128 : i32
        %dma_start3A_612 = arith.constant 0 : i32
        %dma_start3A_613 = tpu.memref_slice %arg6[%dma_start3A_609, %dma_start3A_611, %dma_start3A_612] : memref<5x512x32xf32, #tpu.memory_space<vmem>> -> memref<1x128x32xf32, #tpu.memory_space<vmem>>
        %dma_start3A_614 = tpu.memref_squeeze %dma_start3A_613 : memref<1x128x32xf32, #tpu.memory_space<vmem>> -> memref<128x32xf32, #tpu.memory_space<vmem>>
        %dma_start3A_615 = arith.constant 128 : i32
        %dma_start3A_616 = tpu.memref_slice %arg5[%sub3A_439, %dma_start3A_615] : memref<50x512xi32, #tpu.memory_space<vmem>> -> memref<1x128xi32, #tpu.memory_space<vmem>>
        %dma_start3A_617 = tpu.memref_squeeze %dma_start3A_616 : memref<1x128xi32, #tpu.memory_space<vmem>> -> memref<128xi32, #tpu.memory_space<vmem>>
        %dma_start3A_618 = arith.constant 0 : i32
        %dma_start3A_619 = arith.constant 0 : i32
        %dma_start3A_620 = tpu.memref_slice %arg3[%dma_start3A_618, %dma_start3A_619] : memref<1000000x32xf32, #tpu.memory_space<hbm>> -> memref<1000000x32xf32, #tpu.memory_space<hbm>>
        %dma_start3A_621 = tpu.memref_slice %arg7[%dma_start3A_610] : memref<5x!tpu.dma_semaphore, #tpu.memory_space<semaphore_mem>> -> memref<1x!tpu.dma_semaphore, #tpu.memory_space<semaphore_mem>>
        %dma_start3A_622 = tpu.memref_squeeze %dma_start3A_621 : memref<1x!tpu.dma_semaphore, #tpu.memory_space<semaphore_mem>> -> memref<!tpu.dma_semaphore, #tpu.memory_space<semaphore_mem>>
        tpu.enqueue_indirect_dma source(%dma_start3A_620 : memref<1000000x32xf32, #tpu.memory_space<hbm>>) target(%dma_start3A_614 : memref<128x32xf32, #tpu.memory_space<vmem>>) offsets(%dma_start3A_617 : memref<128xi32, #tpu.memory_space<vmem>>) semaphore(%dma_start3A_622 : memref<!tpu.dma_semaphore, #tpu.memory_space<semaphore_mem>>)
        %dma_start3A_623 = arith.constant 1 : i32
        %dma_start3A_624 = arith.constant 1 : i32
        %dma_start3A_625 = arith.constant 256 : i32
        %dma_start3A_626 = arith.constant 0 : i32
        %dma_start3A_627 = tpu.memref_slice %arg6[%dma_start3A_623, %dma_start3A_625, %dma_start3A_626] : memref<5x512x32xf32, #tpu.memory_space<vmem>> -> memref<1x128x32xf32, #tpu.memory_space<vmem>>
        %dma_start3A_628 = tpu.memref_squeeze %dma_start3A_627 : memref<1x128x32xf32, #tpu.memory_space<vmem>> -> memref<128x32xf32, #tpu.memory_space<vmem>>
        %dma_start3A_629 = arith.constant 256 : i32
        %dma_start3A_630 = tpu.memref_slice %arg5[%sub3A_439, %dma_start3A_629] : memref<50x512xi32, #tpu.memory_space<vmem>> -> memref<1x128xi32, #tpu.memory_space<vmem>>
        %dma_start3A_631 = tpu.memref_squeeze %dma_start3A_630 : memref<1x128xi32, #tpu.memory_space<vmem>> -> memref<128xi32, #tpu.memory_space<vmem>>
        %dma_start3A_632 = arith.constant 0 : i32
        %dma_start3A_633 = arith.constant 0 : i32
        %dma_start3A_634 = tpu.memref_slice %arg3[%dma_start3A_632, %dma_start3A_633] : memref<1000000x32xf32, #tpu.memory_space<hbm>> -> memref<1000000x32xf32, #tpu.memory_space<hbm>>
        %dma_start3A_635 = tpu.memref_slice %arg7[%dma_start3A_624] : memref<5x!tpu.dma_semaphore, #tpu.memory_space<semaphore_mem>> -> memref<1x!tpu.dma_semaphore, #tpu.memory_space<semaphore_mem>>
        %dma_start3A_636 = tpu.memref_squeeze %dma_start3A_635 : memref<1x!tpu.dma_semaphore, #tpu.memory_space<semaphore_mem>> -> memref<!tpu.dma_semaphore, #tpu.memory_space<semaphore_mem>>
        tpu.enqueue_indirect_dma source(%dma_start3A_634 : memref<1000000x32xf32, #tpu.memory_space<hbm>>) target(%dma_start3A_628 : memref<128x32xf32, #tpu.memory_space<vmem>>) offsets(%dma_start3A_631 : memref<128xi32, #tpu.memory_space<vmem>>) semaphore(%dma_start3A_636 : memref<!tpu.dma_semaphore, #tpu.memory_space<semaphore_mem>>)
        %dma_start3A_637 = arith.constant 1 : i32
        %dma_start3A_638 = arith.constant 1 : i32
        %dma_start3A_639 = arith.constant 384 : i32
        %dma_start3A_640 = arith.constant 0 : i32
        %dma_start3A_641 = tpu.memref_slice %arg6[%dma_start3A_637, %dma_start3A_639, %dma_start3A_640] : memref<5x512x32xf32, #tpu.memory_space<vmem>> -> memref<1x128x32xf32, #tpu.memory_space<vmem>>
        %dma_start3A_642 = tpu.memref_squeeze %dma_start3A_641 : memref<1x128x32xf32, #tpu.memory_space<vmem>> -> memref<128x32xf32, #tpu.memory_space<vmem>>
        %dma_start3A_643 = arith.constant 384 : i32
        %dma_start3A_644 = tpu.memref_slice %arg5[%sub3A_439, %dma_start3A_643] : memref<50x512xi32, #tpu.memory_space<vmem>> -> memref<1x128xi32, #tpu.memory_space<vmem>>
        %dma_start3A_645 = tpu.memref_squeeze %dma_start3A_644 : memref<1x128xi32, #tpu.memory_space<vmem>> -> memref<128xi32, #tpu.memory_space<vmem>>
        %dma_start3A_646 = arith.constant 0 : i32
        %dma_start3A_647 = arith.constant 0 : i32
        %dma_start3A_648 = tpu.memref_slice %arg3[%dma_start3A_646, %dma_start3A_647] : memref<1000000x32xf32, #tpu.memory_space<hbm>> -> memref<1000000x32xf32, #tpu.memory_space<hbm>>
        %dma_start3A_649 = tpu.memref_slice %arg7[%dma_start3A_638] : memref<5x!tpu.dma_semaphore, #tpu.memory_space<semaphore_mem>> -> memref<1x!tpu.dma_semaphore, #tpu.memory_space<semaphore_mem>>
        %dma_start3A_650 = tpu.memref_squeeze %dma_start3A_649 : memref<1x!tpu.dma_semaphore, #tpu.memory_space<semaphore_mem>> -> memref<!tpu.dma_semaphore, #tpu.memory_space<semaphore_mem>>
        tpu.enqueue_indirect_dma source(%dma_start3A_648 : memref<1000000x32xf32, #tpu.memory_space<hbm>>) target(%dma_start3A_642 : memref<128x32xf32, #tpu.memory_space<vmem>>) offsets(%dma_start3A_645 : memref<128xi32, #tpu.memory_space<vmem>>) semaphore(%dma_start3A_650 : memref<!tpu.dma_semaphore, #tpu.memory_space<semaphore_mem>>)
      } else {
      }
      %dma_wait3A_445 = arith.constant 2 : i32
      %dma_wait3A_446 = arith.constant 2 : i32
      %dma_wait3A_447 = arith.constant 0 : i32
      %dma_wait3A_448 = arith.constant 0 : i32
      %dma_wait3A_449 = tpu.memref_slice %arg6[%dma_wait3A_445, %dma_wait3A_447, %dma_wait3A_448] : memref<5x512x32xf32, #tpu.memory_space<vmem>> -> memref<1x512x32xf32, #tpu.memory_space<vmem>>
      %dma_wait3A_450 = tpu.memref_squeeze %dma_wait3A_449 : memref<1x512x32xf32, #tpu.memory_space<vmem>> -> memref<512x32xf32, #tpu.memory_space<vmem>>
      %dma_wait3A_451 = arith.constant 0 : i32
      %dma_wait3A_452 = tpu.memref_slice %arg4[%add3A_435, %mul3A_2, %dma_wait3A_451] : memref<50x16384x32xf32, #tpu.memory_space<hbm>> -> memref<1x512x32xf32, #tpu.memory_space<hbm>>
      %dma_wait3A_453 = tpu.memref_squeeze %dma_wait3A_452 : memref<1x512x32xf32, #tpu.memory_space<hbm>> -> memref<512x32xf32, #tpu.memory_space<hbm>>
      %dma_wait3A_454 = tpu.memref_slice %arg7[%dma_wait3A_446] : memref<5x!tpu.dma_semaphore, #tpu.memory_space<semaphore_mem>> -> memref<1x!tpu.dma_semaphore, #tpu.memory_space<semaphore_mem>>
      %dma_wait3A_455 = tpu.memref_squeeze %dma_wait3A_454 : memref<1x!tpu.dma_semaphore, #tpu.memory_space<semaphore_mem>> -> memref<!tpu.dma_semaphore, #tpu.memory_space<semaphore_mem>>
      %dma_wait3A_456 = arith.constant 0 : i32
      %dma_wait3A_457 = arith.constant 0 : i32
      %dma_wait3A_458 = tpu.memref_slice %arg6[%dma_wait3A_445, %dma_wait3A_456, %dma_wait3A_457] : memref<5x512x32xf32, #tpu.memory_space<vmem>> -> memref<1x512x32xf32, #tpu.memory_space<vmem>>
      %dma_wait3A_459 = tpu.memref_squeeze %dma_wait3A_458 : memref<1x512x32xf32, #tpu.memory_space<vmem>> -> memref<512x32xf32, #tpu.memory_space<vmem>>
      %dma_wait3A_460 = arith.constant 0 : i32
      %dma_wait3A_461 = tpu.memref_slice %arg4[%add3A_435, %mul3A_2, %dma_wait3A_460] : memref<50x16384x32xf32, #tpu.memory_space<hbm>> -> memref<1x512x32xf32, #tpu.memory_space<hbm>>
      %dma_wait3A_462 = tpu.memref_squeeze %dma_wait3A_461 : memref<1x512x32xf32, #tpu.memory_space<hbm>> -> memref<512x32xf32, #tpu.memory_space<hbm>>
      tpu.wait_dma2 semaphore(%dma_wait3A_455 : memref<!tpu.dma_semaphore, #tpu.memory_space<semaphore_mem>>) src(%dma_wait3A_462 : memref<512x32xf32, #tpu.memory_space<hbm>>) dst(%dma_wait3A_459 : memref<512x32xf32, #tpu.memory_space<vmem>>)
      %dma_start3A_463 = arith.constant 2 : i32
      %dma_start3A_464 = arith.constant 2 : i32
      %dma_start3A_465 = arith.constant 0 : i32
      %dma_start3A_466 = arith.constant 0 : i32
      %dma_start3A_467 = tpu.memref_slice %arg6[%dma_start3A_463, %dma_start3A_465, %dma_start3A_466] : memref<5x512x32xf32, #tpu.memory_space<vmem>> -> memref<1x512x32xf32, #tpu.memory_space<vmem>>
      %dma_start3A_468 = tpu.memref_squeeze %dma_start3A_467 : memref<1x512x32xf32, #tpu.memory_space<vmem>> -> memref<512x32xf32, #tpu.memory_space<vmem>>
      %dma_start3A_469 = arith.constant 0 : i32
      %dma_start3A_470 = tpu.memref_slice %arg4[%add3A_435, %mul3A_2, %dma_start3A_469] : memref<50x16384x32xf32, #tpu.memory_space<hbm>> -> memref<1x512x32xf32, #tpu.memory_space<hbm>>
      %dma_start3A_471 = tpu.memref_squeeze %dma_start3A_470 : memref<1x512x32xf32, #tpu.memory_space<hbm>> -> memref<512x32xf32, #tpu.memory_space<hbm>>
      %dma_start3A_472 = tpu.memref_slice %arg8[%dma_start3A_464] : memref<5x!tpu.dma_semaphore, #tpu.memory_space<semaphore_mem>> -> memref<1x!tpu.dma_semaphore, #tpu.memory_space<semaphore_mem>>
      %dma_start3A_473 = tpu.memref_squeeze %dma_start3A_472 : memref<1x!tpu.dma_semaphore, #tpu.memory_space<semaphore_mem>> -> memref<!tpu.dma_semaphore, #tpu.memory_space<semaphore_mem>>
      %dma_start3A_474 = arith.constant 0 : i32
      %dma_start3A_475 = tpu.memref_slice %arg4[%add3A_435, %mul3A_2, %dma_start3A_474] : memref<50x16384x32xf32, #tpu.memory_space<hbm>> -> memref<1x512x32xf32, #tpu.memory_space<hbm>>
      %dma_start3A_476 = tpu.memref_squeeze %dma_start3A_475 : memref<1x512x32xf32, #tpu.memory_space<hbm>> -> memref<512x32xf32, #tpu.memory_space<hbm>>
      %dma_start3A_477 = arith.constant 0 : i32
      %dma_start3A_478 = arith.constant 0 : i32
      %dma_start3A_479 = tpu.memref_slice %arg6[%dma_start3A_463, %dma_start3A_477, %dma_start3A_478] : memref<5x512x32xf32, #tpu.memory_space<vmem>> -> memref<1x512x32xf32, #tpu.memory_space<vmem>>
      %dma_start3A_480 = tpu.memref_squeeze %dma_start3A_479 : memref<1x512x32xf32, #tpu.memory_space<vmem>> -> memref<512x32xf32, #tpu.memory_space<vmem>>
      tpu.enqueue_dma source(%dma_start3A_480 : memref<512x32xf32, #tpu.memory_space<vmem>>) target(%dma_start3A_476 : memref<512x32xf32, #tpu.memory_space<hbm>>) target_semaphore(%dma_start3A_473 : memref<!tpu.dma_semaphore, #tpu.memory_space<semaphore_mem>>)
      %add3A_481 = arith.constant 3 : i32
      %add3A_482 = arith.addi %mul3A_343, %add3A_481 : i32
      %add3A_483 = arith.constant 5 : i32
      %add3A_484 = arith.addi %add3A_482, %add3A_483 : i32
      %sub3A_485 = arith.constant 1 : i32
      %sub3A_486 = arith.subi %add3A_484, %sub3A_485 : i32
      %lt3A_487 = arith.constant 50 : i32
      %lt3A_488 = arith.cmpi slt, %sub3A_486, %lt3A_487 : i32
      %convert_element_type3A_489 = arith.extui %lt3A_488 : i1 to i32
      %cond3A_490 = arith.constant 0 : i32
      %cond3A_491 = arith.cmpi ne, %convert_element_type3A_489, %cond3A_490 : i32
      scf.if %cond3A_491 {
        %sub3A_575 = arith.constant 1 : i32
        %sub3A_576 = arith.subi %add3A_482, %sub3A_575 : i32
        %dma_wait3A_577 = arith.constant 2 : i32
        %dma_wait3A_578 = arith.constant 2 : i32
        %dma_wait3A_579 = arith.constant 0 : i32
        %dma_wait3A_580 = arith.constant 0 : i32
        %dma_wait3A_581 = tpu.memref_slice %arg6[%dma_wait3A_577, %dma_wait3A_579, %dma_wait3A_580] : memref<5x512x32xf32, #tpu.memory_space<vmem>> -> memref<1x512x32xf32, #tpu.memory_space<vmem>>
        %dma_wait3A_582 = tpu.memref_squeeze %dma_wait3A_581 : memref<1x512x32xf32, #tpu.memory_space<vmem>> -> memref<512x32xf32, #tpu.memory_space<vmem>>
        %dma_wait3A_583 = arith.constant 0 : i32
        %dma_wait3A_584 = tpu.memref_slice %arg4[%sub3A_576, %mul3A_2, %dma_wait3A_583] : memref<50x16384x32xf32, #tpu.memory_space<hbm>> -> memref<1x512x32xf32, #tpu.memory_space<hbm>>
        %dma_wait3A_585 = tpu.memref_squeeze %dma_wait3A_584 : memref<1x512x32xf32, #tpu.memory_space<hbm>> -> memref<512x32xf32, #tpu.memory_space<hbm>>
        %dma_wait3A_586 = tpu.memref_slice %arg8[%dma_wait3A_578] : memref<5x!tpu.dma_semaphore, #tpu.memory_space<semaphore_mem>> -> memref<1x!tpu.dma_semaphore, #tpu.memory_space<semaphore_mem>>
        %dma_wait3A_587 = tpu.memref_squeeze %dma_wait3A_586 : memref<1x!tpu.dma_semaphore, #tpu.memory_space<semaphore_mem>> -> memref<!tpu.dma_semaphore, #tpu.memory_space<semaphore_mem>>
        %dma_wait3A_588 = arith.constant 0 : i32
        %dma_wait3A_589 = tpu.memref_slice %arg4[%sub3A_576, %mul3A_2, %dma_wait3A_588] : memref<50x16384x32xf32, #tpu.memory_space<hbm>> -> memref<1x512x32xf32, #tpu.memory_space<hbm>>
        %dma_wait3A_590 = tpu.memref_squeeze %dma_wait3A_589 : memref<1x512x32xf32, #tpu.memory_space<hbm>> -> memref<512x32xf32, #tpu.memory_space<hbm>>
        %dma_wait3A_591 = arith.constant 0 : i32
        %dma_wait3A_592 = arith.constant 0 : i32
        %dma_wait3A_593 = tpu.memref_slice %arg6[%dma_wait3A_577, %dma_wait3A_591, %dma_wait3A_592] : memref<5x512x32xf32, #tpu.memory_space<vmem>> -> memref<1x512x32xf32, #tpu.memory_space<vmem>>
        %dma_wait3A_594 = tpu.memref_squeeze %dma_wait3A_593 : memref<1x512x32xf32, #tpu.memory_space<vmem>> -> memref<512x32xf32, #tpu.memory_space<vmem>>
        tpu.wait_dma2 semaphore(%dma_wait3A_587 : memref<!tpu.dma_semaphore, #tpu.memory_space<semaphore_mem>>) src(%dma_wait3A_594 : memref<512x32xf32, #tpu.memory_space<vmem>>) dst(%dma_wait3A_590 : memref<512x32xf32, #tpu.memory_space<hbm>>)
        %dma_start3A_595 = arith.constant 2 : i32
        %dma_start3A_596 = arith.constant 2 : i32
        %dma_start3A_597 = arith.constant 0 : i32
        %dma_start3A_598 = arith.constant 0 : i32
        %dma_start3A_599 = tpu.memref_slice %arg6[%dma_start3A_595, %dma_start3A_597, %dma_start3A_598] : memref<5x512x32xf32, #tpu.memory_space<vmem>> -> memref<1x128x32xf32, #tpu.memory_space<vmem>>
        %dma_start3A_600 = tpu.memref_squeeze %dma_start3A_599 : memref<1x128x32xf32, #tpu.memory_space<vmem>> -> memref<128x32xf32, #tpu.memory_space<vmem>>
        %dma_start3A_601 = arith.constant 0 : i32
        %dma_start3A_602 = tpu.memref_slice %arg5[%sub3A_486, %dma_start3A_601] : memref<50x512xi32, #tpu.memory_space<vmem>> -> memref<1x128xi32, #tpu.memory_space<vmem>>
        %dma_start3A_603 = tpu.memref_squeeze %dma_start3A_602 : memref<1x128xi32, #tpu.memory_space<vmem>> -> memref<128xi32, #tpu.memory_space<vmem>>
        %dma_start3A_604 = arith.constant 0 : i32
        %dma_start3A_605 = arith.constant 0 : i32
        %dma_start3A_606 = tpu.memref_slice %arg3[%dma_start3A_604, %dma_start3A_605] : memref<1000000x32xf32, #tpu.memory_space<hbm>> -> memref<1000000x32xf32, #tpu.memory_space<hbm>>
        %dma_start3A_607 = tpu.memref_slice %arg7[%dma_start3A_596] : memref<5x!tpu.dma_semaphore, #tpu.memory_space<semaphore_mem>> -> memref<1x!tpu.dma_semaphore, #tpu.memory_space<semaphore_mem>>
        %dma_start3A_608 = tpu.memref_squeeze %dma_start3A_607 : memref<1x!tpu.dma_semaphore, #tpu.memory_space<semaphore_mem>> -> memref<!tpu.dma_semaphore, #tpu.memory_space<semaphore_mem>>
        tpu.enqueue_indirect_dma source(%dma_start3A_606 : memref<1000000x32xf32, #tpu.memory_space<hbm>>) target(%dma_start3A_600 : memref<128x32xf32, #tpu.memory_space<vmem>>) offsets(%dma_start3A_603 : memref<128xi32, #tpu.memory_space<vmem>>) semaphore(%dma_start3A_608 : memref<!tpu.dma_semaphore, #tpu.memory_space<semaphore_mem>>)
        %dma_start3A_609 = arith.constant 2 : i32
        %dma_start3A_610 = arith.constant 2 : i32
        %dma_start3A_611 = arith.constant 128 : i32
        %dma_start3A_612 = arith.constant 0 : i32
        %dma_start3A_613 = tpu.memref_slice %arg6[%dma_start3A_609, %dma_start3A_611, %dma_start3A_612] : memref<5x512x32xf32, #tpu.memory_space<vmem>> -> memref<1x128x32xf32, #tpu.memory_space<vmem>>
        %dma_start3A_614 = tpu.memref_squeeze %dma_start3A_613 : memref<1x128x32xf32, #tpu.memory_space<vmem>> -> memref<128x32xf32, #tpu.memory_space<vmem>>
        %dma_start3A_615 = arith.constant 128 : i32
        %dma_start3A_616 = tpu.memref_slice %arg5[%sub3A_486, %dma_start3A_615] : memref<50x512xi32, #tpu.memory_space<vmem>> -> memref<1x128xi32, #tpu.memory_space<vmem>>
        %dma_start3A_617 = tpu.memref_squeeze %dma_start3A_616 : memref<1x128xi32, #tpu.memory_space<vmem>> -> memref<128xi32, #tpu.memory_space<vmem>>
        %dma_start3A_618 = arith.constant 0 : i32
        %dma_start3A_619 = arith.constant 0 : i32
        %dma_start3A_620 = tpu.memref_slice %arg3[%dma_start3A_618, %dma_start3A_619] : memref<1000000x32xf32, #tpu.memory_space<hbm>> -> memref<1000000x32xf32, #tpu.memory_space<hbm>>
        %dma_start3A_621 = tpu.memref_slice %arg7[%dma_start3A_610] : memref<5x!tpu.dma_semaphore, #tpu.memory_space<semaphore_mem>> -> memref<1x!tpu.dma_semaphore, #tpu.memory_space<semaphore_mem>>
        %dma_start3A_622 = tpu.memref_squeeze %dma_start3A_621 : memref<1x!tpu.dma_semaphore, #tpu.memory_space<semaphore_mem>> -> memref<!tpu.dma_semaphore, #tpu.memory_space<semaphore_mem>>
        tpu.enqueue_indirect_dma source(%dma_start3A_620 : memref<1000000x32xf32, #tpu.memory_space<hbm>>) target(%dma_start3A_614 : memref<128x32xf32, #tpu.memory_space<vmem>>) offsets(%dma_start3A_617 : memref<128xi32, #tpu.memory_space<vmem>>) semaphore(%dma_start3A_622 : memref<!tpu.dma_semaphore, #tpu.memory_space<semaphore_mem>>)
        %dma_start3A_623 = arith.constant 2 : i32
        %dma_start3A_624 = arith.constant 2 : i32
        %dma_start3A_625 = arith.constant 256 : i32
        %dma_start3A_626 = arith.constant 0 : i32
        %dma_start3A_627 = tpu.memref_slice %arg6[%dma_start3A_623, %dma_start3A_625, %dma_start3A_626] : memref<5x512x32xf32, #tpu.memory_space<vmem>> -> memref<1x128x32xf32, #tpu.memory_space<vmem>>
        %dma_start3A_628 = tpu.memref_squeeze %dma_start3A_627 : memref<1x128x32xf32, #tpu.memory_space<vmem>> -> memref<128x32xf32, #tpu.memory_space<vmem>>
        %dma_start3A_629 = arith.constant 256 : i32
        %dma_start3A_630 = tpu.memref_slice %arg5[%sub3A_486, %dma_start3A_629] : memref<50x512xi32, #tpu.memory_space<vmem>> -> memref<1x128xi32, #tpu.memory_space<vmem>>
        %dma_start3A_631 = tpu.memref_squeeze %dma_start3A_630 : memref<1x128xi32, #tpu.memory_space<vmem>> -> memref<128xi32, #tpu.memory_space<vmem>>
        %dma_start3A_632 = arith.constant 0 : i32
        %dma_start3A_633 = arith.constant 0 : i32
        %dma_start3A_634 = tpu.memref_slice %arg3[%dma_start3A_632, %dma_start3A_633] : memref<1000000x32xf32, #tpu.memory_space<hbm>> -> memref<1000000x32xf32, #tpu.memory_space<hbm>>
        %dma_start3A_635 = tpu.memref_slice %arg7[%dma_start3A_624] : memref<5x!tpu.dma_semaphore, #tpu.memory_space<semaphore_mem>> -> memref<1x!tpu.dma_semaphore, #tpu.memory_space<semaphore_mem>>
        %dma_start3A_636 = tpu.memref_squeeze %dma_start3A_635 : memref<1x!tpu.dma_semaphore, #tpu.memory_space<semaphore_mem>> -> memref<!tpu.dma_semaphore, #tpu.memory_space<semaphore_mem>>
        tpu.enqueue_indirect_dma source(%dma_start3A_634 : memref<1000000x32xf32, #tpu.memory_space<hbm>>) target(%dma_start3A_628 : memref<128x32xf32, #tpu.memory_space<vmem>>) offsets(%dma_start3A_631 : memref<128xi32, #tpu.memory_space<vmem>>) semaphore(%dma_start3A_636 : memref<!tpu.dma_semaphore, #tpu.memory_space<semaphore_mem>>)
        %dma_start3A_637 = arith.constant 2 : i32
        %dma_start3A_638 = arith.constant 2 : i32
        %dma_start3A_639 = arith.constant 384 : i32
        %dma_start3A_640 = arith.constant 0 : i32
        %dma_start3A_641 = tpu.memref_slice %arg6[%dma_start3A_637, %dma_start3A_639, %dma_start3A_640] : memref<5x512x32xf32, #tpu.memory_space<vmem>> -> memref<1x128x32xf32, #tpu.memory_space<vmem>>
        %dma_start3A_642 = tpu.memref_squeeze %dma_start3A_641 : memref<1x128x32xf32, #tpu.memory_space<vmem>> -> memref<128x32xf32, #tpu.memory_space<vmem>>
        %dma_start3A_643 = arith.constant 384 : i32
        %dma_start3A_644 = tpu.memref_slice %arg5[%sub3A_486, %dma_start3A_643] : memref<50x512xi32, #tpu.memory_space<vmem>> -> memref<1x128xi32, #tpu.memory_space<vmem>>
        %dma_start3A_645 = tpu.memref_squeeze %dma_start3A_644 : memref<1x128xi32, #tpu.memory_space<vmem>> -> memref<128xi32, #tpu.memory_space<vmem>>
        %dma_start3A_646 = arith.constant 0 : i32
        %dma_start3A_647 = arith.constant 0 : i32
        %dma_start3A_648 = tpu.memref_slice %arg3[%dma_start3A_646, %dma_start3A_647] : memref<1000000x32xf32, #tpu.memory_space<hbm>> -> memref<1000000x32xf32, #tpu.memory_space<hbm>>
        %dma_start3A_649 = tpu.memref_slice %arg7[%dma_start3A_638] : memref<5x!tpu.dma_semaphore, #tpu.memory_space<semaphore_mem>> -> memref<1x!tpu.dma_semaphore, #tpu.memory_space<semaphore_mem>>
        %dma_start3A_650 = tpu.memref_squeeze %dma_start3A_649 : memref<1x!tpu.dma_semaphore, #tpu.memory_space<semaphore_mem>> -> memref<!tpu.dma_semaphore, #tpu.memory_space<semaphore_mem>>
        tpu.enqueue_indirect_dma source(%dma_start3A_648 : memref<1000000x32xf32, #tpu.memory_space<hbm>>) target(%dma_start3A_642 : memref<128x32xf32, #tpu.memory_space<vmem>>) offsets(%dma_start3A_645 : memref<128xi32, #tpu.memory_space<vmem>>) semaphore(%dma_start3A_650 : memref<!tpu.dma_semaphore, #tpu.memory_space<semaphore_mem>>)
      } else {
      }
      %dma_wait3A_492 = arith.constant 3 : i32
      %dma_wait3A_493 = arith.constant 3 : i32
      %dma_wait3A_494 = arith.constant 0 : i32
      %dma_wait3A_495 = arith.constant 0 : i32
      %dma_wait3A_496 = tpu.memref_slice %arg6[%dma_wait3A_492, %dma_wait3A_494, %dma_wait3A_495] : memref<5x512x32xf32, #tpu.memory_space<vmem>> -> memref<1x512x32xf32, #tpu.memory_space<vmem>>
      %dma_wait3A_497 = tpu.memref_squeeze %dma_wait3A_496 : memref<1x512x32xf32, #tpu.memory_space<vmem>> -> memref<512x32xf32, #tpu.memory_space<vmem>>
      %dma_wait3A_498 = arith.constant 0 : i32
      %dma_wait3A_499 = tpu.memref_slice %arg4[%add3A_482, %mul3A_2, %dma_wait3A_498] : memref<50x16384x32xf32, #tpu.memory_space<hbm>> -> memref<1x512x32xf32, #tpu.memory_space<hbm>>
      %dma_wait3A_500 = tpu.memref_squeeze %dma_wait3A_499 : memref<1x512x32xf32, #tpu.memory_space<hbm>> -> memref<512x32xf32, #tpu.memory_space<hbm>>
      %dma_wait3A_501 = tpu.memref_slice %arg7[%dma_wait3A_493] : memref<5x!tpu.dma_semaphore, #tpu.memory_space<semaphore_mem>> -> memref<1x!tpu.dma_semaphore, #tpu.memory_space<semaphore_mem>>
      %dma_wait3A_502 = tpu.memref_squeeze %dma_wait3A_501 : memref<1x!tpu.dma_semaphore, #tpu.memory_space<semaphore_mem>> -> memref<!tpu.dma_semaphore, #tpu.memory_space<semaphore_mem>>
      %dma_wait3A_503 = arith.constant 0 : i32
      %dma_wait3A_504 = arith.constant 0 : i32
      %dma_wait3A_505 = tpu.memref_slice %arg6[%dma_wait3A_492, %dma_wait3A_503, %dma_wait3A_504] : memref<5x512x32xf32, #tpu.memory_space<vmem>> -> memref<1x512x32xf32, #tpu.memory_space<vmem>>
      %dma_wait3A_506 = tpu.memref_squeeze %dma_wait3A_505 : memref<1x512x32xf32, #tpu.memory_space<vmem>> -> memref<512x32xf32, #tpu.memory_space<vmem>>
      %dma_wait3A_507 = arith.constant 0 : i32
      %dma_wait3A_508 = tpu.memref_slice %arg4[%add3A_482, %mul3A_2, %dma_wait3A_507] : memref<50x16384x32xf32, #tpu.memory_space<hbm>> -> memref<1x512x32xf32, #tpu.memory_space<hbm>>
      %dma_wait3A_509 = tpu.memref_squeeze %dma_wait3A_508 : memref<1x512x32xf32, #tpu.memory_space<hbm>> -> memref<512x32xf32, #tpu.memory_space<hbm>>
      tpu.wait_dma2 semaphore(%dma_wait3A_502 : memref<!tpu.dma_semaphore, #tpu.memory_space<semaphore_mem>>) src(%dma_wait3A_509 : memref<512x32xf32, #tpu.memory_space<hbm>>) dst(%dma_wait3A_506 : memref<512x32xf32, #tpu.memory_space<vmem>>)
      %dma_start3A_510 = arith.constant 3 : i32
      %dma_start3A_511 = arith.constant 3 : i32
      %dma_start3A_512 = arith.constant 0 : i32
      %dma_start3A_513 = arith.constant 0 : i32
      %dma_start3A_514 = tpu.memref_slice %arg6[%dma_start3A_510, %dma_start3A_512, %dma_start3A_513] : memref<5x512x32xf32, #tpu.memory_space<vmem>> -> memref<1x512x32xf32, #tpu.memory_space<vmem>>
      %dma_start3A_515 = tpu.memref_squeeze %dma_start3A_514 : memref<1x512x32xf32, #tpu.memory_space<vmem>> -> memref<512x32xf32, #tpu.memory_space<vmem>>
      %dma_start3A_516 = arith.constant 0 : i32
      %dma_start3A_517 = tpu.memref_slice %arg4[%add3A_482, %mul3A_2, %dma_start3A_516] : memref<50x16384x32xf32, #tpu.memory_space<hbm>> -> memref<1x512x32xf32, #tpu.memory_space<hbm>>
      %dma_start3A_518 = tpu.memref_squeeze %dma_start3A_517 : memref<1x512x32xf32, #tpu.memory_space<hbm>> -> memref<512x32xf32, #tpu.memory_space<hbm>>
      %dma_start3A_519 = tpu.memref_slice %arg8[%dma_start3A_511] : memref<5x!tpu.dma_semaphore, #tpu.memory_space<semaphore_mem>> -> memref<1x!tpu.dma_semaphore, #tpu.memory_space<semaphore_mem>>
      %dma_start3A_520 = tpu.memref_squeeze %dma_start3A_519 : memref<1x!tpu.dma_semaphore, #tpu.memory_space<semaphore_mem>> -> memref<!tpu.dma_semaphore, #tpu.memory_space<semaphore_mem>>
      %dma_start3A_521 = arith.constant 0 : i32
      %dma_start3A_522 = tpu.memref_slice %arg4[%add3A_482, %mul3A_2, %dma_start3A_521] : memref<50x16384x32xf32, #tpu.memory_space<hbm>> -> memref<1x512x32xf32, #tpu.memory_space<hbm>>
      %dma_start3A_523 = tpu.memref_squeeze %dma_start3A_522 : memref<1x512x32xf32, #tpu.memory_space<hbm>> -> memref<512x32xf32, #tpu.memory_space<hbm>>
      %dma_start3A_524 = arith.constant 0 : i32
      %dma_start3A_525 = arith.constant 0 : i32
      %dma_start3A_526 = tpu.memref_slice %arg6[%dma_start3A_510, %dma_start3A_524, %dma_start3A_525] : memref<5x512x32xf32, #tpu.memory_space<vmem>> -> memref<1x512x32xf32, #tpu.memory_space<vmem>>
      %dma_start3A_527 = tpu.memref_squeeze %dma_start3A_526 : memref<1x512x32xf32, #tpu.memory_space<vmem>> -> memref<512x32xf32, #tpu.memory_space<vmem>>
      tpu.enqueue_dma source(%dma_start3A_527 : memref<512x32xf32, #tpu.memory_space<vmem>>) target(%dma_start3A_523 : memref<512x32xf32, #tpu.memory_space<hbm>>) target_semaphore(%dma_start3A_520 : memref<!tpu.dma_semaphore, #tpu.memory_space<semaphore_mem>>)
      %add3A_528 = arith.constant 4 : i32
      %add3A_529 = arith.addi %mul3A_343, %add3A_528 : i32
      %add3A_530 = arith.constant 5 : i32
      %add3A_531 = arith.addi %add3A_529, %add3A_530 : i32
      %sub3A_532 = arith.constant 1 : i32
      %sub3A_533 = arith.subi %add3A_531, %sub3A_532 : i32
      %lt3A_534 = arith.constant 50 : i32
      %lt3A_535 = arith.cmpi slt, %sub3A_533, %lt3A_534 : i32
      %convert_element_type3A_536 = arith.extui %lt3A_535 : i1 to i32
      %cond3A_537 = arith.constant 0 : i32
      %cond3A_538 = arith.cmpi ne, %convert_element_type3A_536, %cond3A_537 : i32
      scf.if %cond3A_538 {
        %sub3A_575 = arith.constant 1 : i32
        %sub3A_576 = arith.subi %add3A_529, %sub3A_575 : i32
        %dma_wait3A_577 = arith.constant 3 : i32
        %dma_wait3A_578 = arith.constant 3 : i32
        %dma_wait3A_579 = arith.constant 0 : i32
        %dma_wait3A_580 = arith.constant 0 : i32
        %dma_wait3A_581 = tpu.memref_slice %arg6[%dma_wait3A_577, %dma_wait3A_579, %dma_wait3A_580] : memref<5x512x32xf32, #tpu.memory_space<vmem>> -> memref<1x512x32xf32, #tpu.memory_space<vmem>>
        %dma_wait3A_582 = tpu.memref_squeeze %dma_wait3A_581 : memref<1x512x32xf32, #tpu.memory_space<vmem>> -> memref<512x32xf32, #tpu.memory_space<vmem>>
        %dma_wait3A_583 = arith.constant 0 : i32
        %dma_wait3A_584 = tpu.memref_slice %arg4[%sub3A_576, %mul3A_2, %dma_wait3A_583] : memref<50x16384x32xf32, #tpu.memory_space<hbm>> -> memref<1x512x32xf32, #tpu.memory_space<hbm>>
        %dma_wait3A_585 = tpu.memref_squeeze %dma_wait3A_584 : memref<1x512x32xf32, #tpu.memory_space<hbm>> -> memref<512x32xf32, #tpu.memory_space<hbm>>
        %dma_wait3A_586 = tpu.memref_slice %arg8[%dma_wait3A_578] : memref<5x!tpu.dma_semaphore, #tpu.memory_space<semaphore_mem>> -> memref<1x!tpu.dma_semaphore, #tpu.memory_space<semaphore_mem>>
        %dma_wait3A_587 = tpu.memref_squeeze %dma_wait3A_586 : memref<1x!tpu.dma_semaphore, #tpu.memory_space<semaphore_mem>> -> memref<!tpu.dma_semaphore, #tpu.memory_space<semaphore_mem>>
        %dma_wait3A_588 = arith.constant 0 : i32
        %dma_wait3A_589 = tpu.memref_slice %arg4[%sub3A_576, %mul3A_2, %dma_wait3A_588] : memref<50x16384x32xf32, #tpu.memory_space<hbm>> -> memref<1x512x32xf32, #tpu.memory_space<hbm>>
        %dma_wait3A_590 = tpu.memref_squeeze %dma_wait3A_589 : memref<1x512x32xf32, #tpu.memory_space<hbm>> -> memref<512x32xf32, #tpu.memory_space<hbm>>
        %dma_wait3A_591 = arith.constant 0 : i32
        %dma_wait3A_592 = arith.constant 0 : i32
        %dma_wait3A_593 = tpu.memref_slice %arg6[%dma_wait3A_577, %dma_wait3A_591, %dma_wait3A_592] : memref<5x512x32xf32, #tpu.memory_space<vmem>> -> memref<1x512x32xf32, #tpu.memory_space<vmem>>
        %dma_wait3A_594 = tpu.memref_squeeze %dma_wait3A_593 : memref<1x512x32xf32, #tpu.memory_space<vmem>> -> memref<512x32xf32, #tpu.memory_space<vmem>>
        tpu.wait_dma2 semaphore(%dma_wait3A_587 : memref<!tpu.dma_semaphore, #tpu.memory_space<semaphore_mem>>) src(%dma_wait3A_594 : memref<512x32xf32, #tpu.memory_space<vmem>>) dst(%dma_wait3A_590 : memref<512x32xf32, #tpu.memory_space<hbm>>)
        %dma_start3A_595 = arith.constant 3 : i32
        %dma_start3A_596 = arith.constant 3 : i32
        %dma_start3A_597 = arith.constant 0 : i32
        %dma_start3A_598 = arith.constant 0 : i32
        %dma_start3A_599 = tpu.memref_slice %arg6[%dma_start3A_595, %dma_start3A_597, %dma_start3A_598] : memref<5x512x32xf32, #tpu.memory_space<vmem>> -> memref<1x128x32xf32, #tpu.memory_space<vmem>>
        %dma_start3A_600 = tpu.memref_squeeze %dma_start3A_599 : memref<1x128x32xf32, #tpu.memory_space<vmem>> -> memref<128x32xf32, #tpu.memory_space<vmem>>
        %dma_start3A_601 = arith.constant 0 : i32
        %dma_start3A_602 = tpu.memref_slice %arg5[%sub3A_533, %dma_start3A_601] : memref<50x512xi32, #tpu.memory_space<vmem>> -> memref<1x128xi32, #tpu.memory_space<vmem>>
        %dma_start3A_603 = tpu.memref_squeeze %dma_start3A_602 : memref<1x128xi32, #tpu.memory_space<vmem>> -> memref<128xi32, #tpu.memory_space<vmem>>
        %dma_start3A_604 = arith.constant 0 : i32
        %dma_start3A_605 = arith.constant 0 : i32
        %dma_start3A_606 = tpu.memref_slice %arg3[%dma_start3A_604, %dma_start3A_605] : memref<1000000x32xf32, #tpu.memory_space<hbm>> -> memref<1000000x32xf32, #tpu.memory_space<hbm>>
        %dma_start3A_607 = tpu.memref_slice %arg7[%dma_start3A_596] : memref<5x!tpu.dma_semaphore, #tpu.memory_space<semaphore_mem>> -> memref<1x!tpu.dma_semaphore, #tpu.memory_space<semaphore_mem>>
        %dma_start3A_608 = tpu.memref_squeeze %dma_start3A_607 : memref<1x!tpu.dma_semaphore, #tpu.memory_space<semaphore_mem>> -> memref<!tpu.dma_semaphore, #tpu.memory_space<semaphore_mem>>
        tpu.enqueue_indirect_dma source(%dma_start3A_606 : memref<1000000x32xf32, #tpu.memory_space<hbm>>) target(%dma_start3A_600 : memref<128x32xf32, #tpu.memory_space<vmem>>) offsets(%dma_start3A_603 : memref<128xi32, #tpu.memory_space<vmem>>) semaphore(%dma_start3A_608 : memref<!tpu.dma_semaphore, #tpu.memory_space<semaphore_mem>>)
        %dma_start3A_609 = arith.constant 3 : i32
        %dma_start3A_610 = arith.constant 3 : i32
        %dma_start3A_611 = arith.constant 128 : i32
        %dma_start3A_612 = arith.constant 0 : i32
        %dma_start3A_613 = tpu.memref_slice %arg6[%dma_start3A_609, %dma_start3A_611, %dma_start3A_612] : memref<5x512x32xf32, #tpu.memory_space<vmem>> -> memref<1x128x32xf32, #tpu.memory_space<vmem>>
        %dma_start3A_614 = tpu.memref_squeeze %dma_start3A_613 : memref<1x128x32xf32, #tpu.memory_space<vmem>> -> memref<128x32xf32, #tpu.memory_space<vmem>>
        %dma_start3A_615 = arith.constant 128 : i32
        %dma_start3A_616 = tpu.memref_slice %arg5[%sub3A_533, %dma_start3A_615] : memref<50x512xi32, #tpu.memory_space<vmem>> -> memref<1x128xi32, #tpu.memory_space<vmem>>
        %dma_start3A_617 = tpu.memref_squeeze %dma_start3A_616 : memref<1x128xi32, #tpu.memory_space<vmem>> -> memref<128xi32, #tpu.memory_space<vmem>>
        %dma_start3A_618 = arith.constant 0 : i32
        %dma_start3A_619 = arith.constant 0 : i32
        %dma_start3A_620 = tpu.memref_slice %arg3[%dma_start3A_618, %dma_start3A_619] : memref<1000000x32xf32, #tpu.memory_space<hbm>> -> memref<1000000x32xf32, #tpu.memory_space<hbm>>
        %dma_start3A_621 = tpu.memref_slice %arg7[%dma_start3A_610] : memref<5x!tpu.dma_semaphore, #tpu.memory_space<semaphore_mem>> -> memref<1x!tpu.dma_semaphore, #tpu.memory_space<semaphore_mem>>
        %dma_start3A_622 = tpu.memref_squeeze %dma_start3A_621 : memref<1x!tpu.dma_semaphore, #tpu.memory_space<semaphore_mem>> -> memref<!tpu.dma_semaphore, #tpu.memory_space<semaphore_mem>>
        tpu.enqueue_indirect_dma source(%dma_start3A_620 : memref<1000000x32xf32, #tpu.memory_space<hbm>>) target(%dma_start3A_614 : memref<128x32xf32, #tpu.memory_space<vmem>>) offsets(%dma_start3A_617 : memref<128xi32, #tpu.memory_space<vmem>>) semaphore(%dma_start3A_622 : memref<!tpu.dma_semaphore, #tpu.memory_space<semaphore_mem>>)
        %dma_start3A_623 = arith.constant 3 : i32
        %dma_start3A_624 = arith.constant 3 : i32
        %dma_start3A_625 = arith.constant 256 : i32
        %dma_start3A_626 = arith.constant 0 : i32
        %dma_start3A_627 = tpu.memref_slice %arg6[%dma_start3A_623, %dma_start3A_625, %dma_start3A_626] : memref<5x512x32xf32, #tpu.memory_space<vmem>> -> memref<1x128x32xf32, #tpu.memory_space<vmem>>
        %dma_start3A_628 = tpu.memref_squeeze %dma_start3A_627 : memref<1x128x32xf32, #tpu.memory_space<vmem>> -> memref<128x32xf32, #tpu.memory_space<vmem>>
        %dma_start3A_629 = arith.constant 256 : i32
        %dma_start3A_630 = tpu.memref_slice %arg5[%sub3A_533, %dma_start3A_629] : memref<50x512xi32, #tpu.memory_space<vmem>> -> memref<1x128xi32, #tpu.memory_space<vmem>>
        %dma_start3A_631 = tpu.memref_squeeze %dma_start3A_630 : memref<1x128xi32, #tpu.memory_space<vmem>> -> memref<128xi32, #tpu.memory_space<vmem>>
        %dma_start3A_632 = arith.constant 0 : i32
        %dma_start3A_633 = arith.constant 0 : i32
        %dma_start3A_634 = tpu.memref_slice %arg3[%dma_start3A_632, %dma_start3A_633] : memref<1000000x32xf32, #tpu.memory_space<hbm>> -> memref<1000000x32xf32, #tpu.memory_space<hbm>>
        %dma_start3A_635 = tpu.memref_slice %arg7[%dma_start3A_624] : memref<5x!tpu.dma_semaphore, #tpu.memory_space<semaphore_mem>> -> memref<1x!tpu.dma_semaphore, #tpu.memory_space<semaphore_mem>>
        %dma_start3A_636 = tpu.memref_squeeze %dma_start3A_635 : memref<1x!tpu.dma_semaphore, #tpu.memory_space<semaphore_mem>> -> memref<!tpu.dma_semaphore, #tpu.memory_space<semaphore_mem>>
        tpu.enqueue_indirect_dma source(%dma_start3A_634 : memref<1000000x32xf32, #tpu.memory_space<hbm>>) target(%dma_start3A_628 : memref<128x32xf32, #tpu.memory_space<vmem>>) offsets(%dma_start3A_631 : memref<128xi32, #tpu.memory_space<vmem>>) semaphore(%dma_start3A_636 : memref<!tpu.dma_semaphore, #tpu.memory_space<semaphore_mem>>)
        %dma_start3A_637 = arith.constant 3 : i32
        %dma_start3A_638 = arith.constant 3 : i32
        %dma_start3A_639 = arith.constant 384 : i32
        %dma_start3A_640 = arith.constant 0 : i32
        %dma_start3A_641 = tpu.memref_slice %arg6[%dma_start3A_637, %dma_start3A_639, %dma_start3A_640] : memref<5x512x32xf32, #tpu.memory_space<vmem>> -> memref<1x128x32xf32, #tpu.memory_space<vmem>>
        %dma_start3A_642 = tpu.memref_squeeze %dma_start3A_641 : memref<1x128x32xf32, #tpu.memory_space<vmem>> -> memref<128x32xf32, #tpu.memory_space<vmem>>
        %dma_start3A_643 = arith.constant 384 : i32
        %dma_start3A_644 = tpu.memref_slice %arg5[%sub3A_533, %dma_start3A_643] : memref<50x512xi32, #tpu.memory_space<vmem>> -> memref<1x128xi32, #tpu.memory_space<vmem>>
        %dma_start3A_645 = tpu.memref_squeeze %dma_start3A_644 : memref<1x128xi32, #tpu.memory_space<vmem>> -> memref<128xi32, #tpu.memory_space<vmem>>
        %dma_start3A_646 = arith.constant 0 : i32
        %dma_start3A_647 = arith.constant 0 : i32
        %dma_start3A_648 = tpu.memref_slice %arg3[%dma_start3A_646, %dma_start3A_647] : memref<1000000x32xf32, #tpu.memory_space<hbm>> -> memref<1000000x32xf32, #tpu.memory_space<hbm>>
        %dma_start3A_649 = tpu.memref_slice %arg7[%dma_start3A_638] : memref<5x!tpu.dma_semaphore, #tpu.memory_space<semaphore_mem>> -> memref<1x!tpu.dma_semaphore, #tpu.memory_space<semaphore_mem>>
        %dma_start3A_650 = tpu.memref_squeeze %dma_start3A_649 : memref<1x!tpu.dma_semaphore, #tpu.memory_space<semaphore_mem>> -> memref<!tpu.dma_semaphore, #tpu.memory_space<semaphore_mem>>
        tpu.enqueue_indirect_dma source(%dma_start3A_648 : memref<1000000x32xf32, #tpu.memory_space<hbm>>) target(%dma_start3A_642 : memref<128x32xf32, #tpu.memory_space<vmem>>) offsets(%dma_start3A_645 : memref<128xi32, #tpu.memory_space<vmem>>) semaphore(%dma_start3A_650 : memref<!tpu.dma_semaphore, #tpu.memory_space<semaphore_mem>>)
      } else {
      }
      %dma_wait3A_539 = arith.constant 4 : i32
      %dma_wait3A_540 = arith.constant 4 : i32
      %dma_wait3A_541 = arith.constant 0 : i32
      %dma_wait3A_542 = arith.constant 0 : i32
      %dma_wait3A_543 = tpu.memref_slice %arg6[%dma_wait3A_539, %dma_wait3A_541, %dma_wait3A_542] : memref<5x512x32xf32, #tpu.memory_space<vmem>> -> memref<1x512x32xf32, #tpu.memory_space<vmem>>
      %dma_wait3A_544 = tpu.memref_squeeze %dma_wait3A_543 : memref<1x512x32xf32, #tpu.memory_space<vmem>> -> memref<512x32xf32, #tpu.memory_space<vmem>>
      %dma_wait3A_545 = arith.constant 0 : i32
      %dma_wait3A_546 = tpu.memref_slice %arg4[%add3A_529, %mul3A_2, %dma_wait3A_545] : memref<50x16384x32xf32, #tpu.memory_space<hbm>> -> memref<1x512x32xf32, #tpu.memory_space<hbm>>
      %dma_wait3A_547 = tpu.memref_squeeze %dma_wait3A_546 : memref<1x512x32xf32, #tpu.memory_space<hbm>> -> memref<512x32xf32, #tpu.memory_space<hbm>>
      %dma_wait3A_548 = tpu.memref_slice %arg7[%dma_wait3A_540] : memref<5x!tpu.dma_semaphore, #tpu.memory_space<semaphore_mem>> -> memref<1x!tpu.dma_semaphore, #tpu.memory_space<semaphore_mem>>
      %dma_wait3A_549 = tpu.memref_squeeze %dma_wait3A_548 : memref<1x!tpu.dma_semaphore, #tpu.memory_space<semaphore_mem>> -> memref<!tpu.dma_semaphore, #tpu.memory_space<semaphore_mem>>
      %dma_wait3A_550 = arith.constant 0 : i32
      %dma_wait3A_551 = arith.constant 0 : i32
      %dma_wait3A_552 = tpu.memref_slice %arg6[%dma_wait3A_539, %dma_wait3A_550, %dma_wait3A_551] : memref<5x512x32xf32, #tpu.memory_space<vmem>> -> memref<1x512x32xf32, #tpu.memory_space<vmem>>
      %dma_wait3A_553 = tpu.memref_squeeze %dma_wait3A_552 : memref<1x512x32xf32, #tpu.memory_space<vmem>> -> memref<512x32xf32, #tpu.memory_space<vmem>>
      %dma_wait3A_554 = arith.constant 0 : i32
      %dma_wait3A_555 = tpu.memref_slice %arg4[%add3A_529, %mul3A_2, %dma_wait3A_554] : memref<50x16384x32xf32, #tpu.memory_space<hbm>> -> memref<1x512x32xf32, #tpu.memory_space<hbm>>
      %dma_wait3A_556 = tpu.memref_squeeze %dma_wait3A_555 : memref<1x512x32xf32, #tpu.memory_space<hbm>> -> memref<512x32xf32, #tpu.memory_space<hbm>>
      tpu.wait_dma2 semaphore(%dma_wait3A_549 : memref<!tpu.dma_semaphore, #tpu.memory_space<semaphore_mem>>) src(%dma_wait3A_556 : memref<512x32xf32, #tpu.memory_space<hbm>>) dst(%dma_wait3A_553 : memref<512x32xf32, #tpu.memory_space<vmem>>)
      %dma_start3A_557 = arith.constant 4 : i32
      %dma_start3A_558 = arith.constant 4 : i32
      %dma_start3A_559 = arith.constant 0 : i32
      %dma_start3A_560 = arith.constant 0 : i32
      %dma_start3A_561 = tpu.memref_slice %arg6[%dma_start3A_557, %dma_start3A_559, %dma_start3A_560] : memref<5x512x32xf32, #tpu.memory_space<vmem>> -> memref<1x512x32xf32, #tpu.memory_space<vmem>>
      %dma_start3A_562 = tpu.memref_squeeze %dma_start3A_561 : memref<1x512x32xf32, #tpu.memory_space<vmem>> -> memref<512x32xf32, #tpu.memory_space<vmem>>
      %dma_start3A_563 = arith.constant 0 : i32
      %dma_start3A_564 = tpu.memref_slice %arg4[%add3A_529, %mul3A_2, %dma_start3A_563] : memref<50x16384x32xf32, #tpu.memory_space<hbm>> -> memref<1x512x32xf32, #tpu.memory_space<hbm>>
      %dma_start3A_565 = tpu.memref_squeeze %dma_start3A_564 : memref<1x512x32xf32, #tpu.memory_space<hbm>> -> memref<512x32xf32, #tpu.memory_space<hbm>>
      %dma_start3A_566 = tpu.memref_slice %arg8[%dma_start3A_558] : memref<5x!tpu.dma_semaphore, #tpu.memory_space<semaphore_mem>> -> memref<1x!tpu.dma_semaphore, #tpu.memory_space<semaphore_mem>>
      %dma_start3A_567 = tpu.memref_squeeze %dma_start3A_566 : memref<1x!tpu.dma_semaphore, #tpu.memory_space<semaphore_mem>> -> memref<!tpu.dma_semaphore, #tpu.memory_space<semaphore_mem>>
      %dma_start3A_568 = arith.constant 0 : i32
      %dma_start3A_569 = tpu.memref_slice %arg4[%add3A_529, %mul3A_2, %dma_start3A_568] : memref<50x16384x32xf32, #tpu.memory_space<hbm>> -> memref<1x512x32xf32, #tpu.memory_space<hbm>>
      %dma_start3A_570 = tpu.memref_squeeze %dma_start3A_569 : memref<1x512x32xf32, #tpu.memory_space<hbm>> -> memref<512x32xf32, #tpu.memory_space<hbm>>
      %dma_start3A_571 = arith.constant 0 : i32
      %dma_start3A_572 = arith.constant 0 : i32
      %dma_start3A_573 = tpu.memref_slice %arg6[%dma_start3A_557, %dma_start3A_571, %dma_start3A_572] : memref<5x512x32xf32, #tpu.memory_space<vmem>> -> memref<1x512x32xf32, #tpu.memory_space<vmem>>
      %dma_start3A_574 = tpu.memref_squeeze %dma_start3A_573 : memref<1x512x32xf32, #tpu.memory_space<vmem>> -> memref<512x32xf32, #tpu.memory_space<vmem>>
      tpu.enqueue_dma source(%dma_start3A_574 : memref<512x32xf32, #tpu.memory_space<vmem>>) target(%dma_start3A_570 : memref<512x32xf32, #tpu.memory_space<hbm>>) target_semaphore(%dma_start3A_567 : memref<!tpu.dma_semaphore, #tpu.memory_space<semaphore_mem>>)
    }
    %scan3A_246 = arith.constant 10 : i32
    %dma_wait3A = arith.constant 0 : i32
    %dma_wait3A_247 = arith.constant 45 : i32
    %dma_wait3A_248 = arith.constant 0 : i32
    %dma_wait3A_249 = arith.constant 0 : i32
    %dma_wait3A_250 = arith.constant 0 : i32
    %dma_wait3A_251 = tpu.memref_slice %arg6[%dma_wait3A, %dma_wait3A_249, %dma_wait3A_250] : memref<5x512x32xf32, #tpu.memory_space<vmem>> -> memref<1x512x32xf32, #tpu.memory_space<vmem>>
    %dma_wait3A_252 = tpu.memref_squeeze %dma_wait3A_251 : memref<1x512x32xf32, #tpu.memory_space<vmem>> -> memref<512x32xf32, #tpu.memory_space<vmem>>
    %dma_wait3A_253 = arith.constant 0 : i32
    %dma_wait3A_254 = tpu.memref_slice %arg4[%dma_wait3A_247, %mul3A_2, %dma_wait3A_253] : memref<50x16384x32xf32, #tpu.memory_space<hbm>> -> memref<1x512x32xf32, #tpu.memory_space<hbm>>
    %dma_wait3A_255 = tpu.memref_squeeze %dma_wait3A_254 : memref<1x512x32xf32, #tpu.memory_space<hbm>> -> memref<512x32xf32, #tpu.memory_space<hbm>>
    %dma_wait3A_256 = tpu.memref_slice %arg8[%dma_wait3A_248] : memref<5x!tpu.dma_semaphore, #tpu.memory_space<semaphore_mem>> -> memref<1x!tpu.dma_semaphore, #tpu.memory_space<semaphore_mem>>
    %dma_wait3A_257 = tpu.memref_squeeze %dma_wait3A_256 : memref<1x!tpu.dma_semaphore, #tpu.memory_space<semaphore_mem>> -> memref<!tpu.dma_semaphore, #tpu.memory_space<semaphore_mem>>
    %dma_wait3A_258 = arith.constant 0 : i32
    %dma_wait3A_259 = tpu.memref_slice %arg4[%dma_wait3A_247, %mul3A_2, %dma_wait3A_258] : memref<50x16384x32xf32, #tpu.memory_space<hbm>> -> memref<1x512x32xf32, #tpu.memory_space<hbm>>
    %dma_wait3A_260 = tpu.memref_squeeze %dma_wait3A_259 : memref<1x512x32xf32, #tpu.memory_space<hbm>> -> memref<512x32xf32, #tpu.memory_space<hbm>>
    %dma_wait3A_261 = arith.constant 0 : i32
    %dma_wait3A_262 = arith.constant 0 : i32
    %dma_wait3A_263 = tpu.memref_slice %arg6[%dma_wait3A, %dma_wait3A_261, %dma_wait3A_262] : memref<5x512x32xf32, #tpu.memory_space<vmem>> -> memref<1x512x32xf32, #tpu.memory_space<vmem>>
    %dma_wait3A_264 = tpu.memref_squeeze %dma_wait3A_263 : memref<1x512x32xf32, #tpu.memory_space<vmem>> -> memref<512x32xf32, #tpu.memory_space<vmem>>
    tpu.wait_dma2 semaphore(%dma_wait3A_257 : memref<!tpu.dma_semaphore, #tpu.memory_space<semaphore_mem>>) src(%dma_wait3A_264 : memref<512x32xf32, #tpu.memory_space<vmem>>) dst(%dma_wait3A_260 : memref<512x32xf32, #tpu.memory_space<hbm>>)
    %dma_wait3A_265 = arith.constant 1 : i32
    %dma_wait3A_266 = arith.constant 46 : i32
    %dma_wait3A_267 = arith.constant 1 : i32
    %dma_wait3A_268 = arith.constant 0 : i32
    %dma_wait3A_269 = arith.constant 0 : i32
    %dma_wait3A_270 = tpu.memref_slice %arg6[%dma_wait3A_265, %dma_wait3A_268, %dma_wait3A_269] : memref<5x512x32xf32, #tpu.memory_space<vmem>> -> memref<1x512x32xf32, #tpu.memory_space<vmem>>
    %dma_wait3A_271 = tpu.memref_squeeze %dma_wait3A_270 : memref<1x512x32xf32, #tpu.memory_space<vmem>> -> memref<512x32xf32, #tpu.memory_space<vmem>>
    %dma_wait3A_272 = arith.constant 0 : i32
    %dma_wait3A_273 = tpu.memref_slice %arg4[%dma_wait3A_266, %mul3A_2, %dma_wait3A_272] : memref<50x16384x32xf32, #tpu.memory_space<hbm>> -> memref<1x512x32xf32, #tpu.memory_space<hbm>>
    %dma_wait3A_274 = tpu.memref_squeeze %dma_wait3A_273 : memref<1x512x32xf32, #tpu.memory_space<hbm>> -> memref<512x32xf32, #tpu.memory_space<hbm>>
    %dma_wait3A_275 = tpu.memref_slice %arg8[%dma_wait3A_267] : memref<5x!tpu.dma_semaphore, #tpu.memory_space<semaphore_mem>> -> memref<1x!tpu.dma_semaphore, #tpu.memory_space<semaphore_mem>>
    %dma_wait3A_276 = tpu.memref_squeeze %dma_wait3A_275 : memref<1x!tpu.dma_semaphore, #tpu.memory_space<semaphore_mem>> -> memref<!tpu.dma_semaphore, #tpu.memory_space<semaphore_mem>>
    %dma_wait3A_277 = arith.constant 0 : i32
    %dma_wait3A_278 = tpu.memref_slice %arg4[%dma_wait3A_266, %mul3A_2, %dma_wait3A_277] : memref<50x16384x32xf32, #tpu.memory_space<hbm>> -> memref<1x512x32xf32, #tpu.memory_space<hbm>>
    %dma_wait3A_279 = tpu.memref_squeeze %dma_wait3A_278 : memref<1x512x32xf32, #tpu.memory_space<hbm>> -> memref<512x32xf32, #tpu.memory_space<hbm>>
    %dma_wait3A_280 = arith.constant 0 : i32
    %dma_wait3A_281 = arith.constant 0 : i32
    %dma_wait3A_282 = tpu.memref_slice %arg6[%dma_wait3A_265, %dma_wait3A_280, %dma_wait3A_281] : memref<5x512x32xf32, #tpu.memory_space<vmem>> -> memref<1x512x32xf32, #tpu.memory_space<vmem>>
    %dma_wait3A_283 = tpu.memref_squeeze %dma_wait3A_282 : memref<1x512x32xf32, #tpu.memory_space<vmem>> -> memref<512x32xf32, #tpu.memory_space<vmem>>
    tpu.wait_dma2 semaphore(%dma_wait3A_276 : memref<!tpu.dma_semaphore, #tpu.memory_space<semaphore_mem>>) src(%dma_wait3A_283 : memref<512x32xf32, #tpu.memory_space<vmem>>) dst(%dma_wait3A_279 : memref<512x32xf32, #tpu.memory_space<hbm>>)
    %dma_wait3A_284 = arith.constant 2 : i32
    %dma_wait3A_285 = arith.constant 47 : i32
    %dma_wait3A_286 = arith.constant 2 : i32
    %dma_wait3A_287 = arith.constant 0 : i32
    %dma_wait3A_288 = arith.constant 0 : i32
    %dma_wait3A_289 = tpu.memref_slice %arg6[%dma_wait3A_284, %dma_wait3A_287, %dma_wait3A_288] : memref<5x512x32xf32, #tpu.memory_space<vmem>> -> memref<1x512x32xf32, #tpu.memory_space<vmem>>
    %dma_wait3A_290 = tpu.memref_squeeze %dma_wait3A_289 : memref<1x512x32xf32, #tpu.memory_space<vmem>> -> memref<512x32xf32, #tpu.memory_space<vmem>>
    %dma_wait3A_291 = arith.constant 0 : i32
    %dma_wait3A_292 = tpu.memref_slice %arg4[%dma_wait3A_285, %mul3A_2, %dma_wait3A_291] : memref<50x16384x32xf32, #tpu.memory_space<hbm>> -> memref<1x512x32xf32, #tpu.memory_space<hbm>>
    %dma_wait3A_293 = tpu.memref_squeeze %dma_wait3A_292 : memref<1x512x32xf32, #tpu.memory_space<hbm>> -> memref<512x32xf32, #tpu.memory_space<hbm>>
    %dma_wait3A_294 = tpu.memref_slice %arg8[%dma_wait3A_286] : memref<5x!tpu.dma_semaphore, #tpu.memory_space<semaphore_mem>> -> memref<1x!tpu.dma_semaphore, #tpu.memory_space<semaphore_mem>>
    %dma_wait3A_295 = tpu.memref_squeeze %dma_wait3A_294 : memref<1x!tpu.dma_semaphore, #tpu.memory_space<semaphore_mem>> -> memref<!tpu.dma_semaphore, #tpu.memory_space<semaphore_mem>>
    %dma_wait3A_296 = arith.constant 0 : i32
    %dma_wait3A_297 = tpu.memref_slice %arg4[%dma_wait3A_285, %mul3A_2, %dma_wait3A_296] : memref<50x16384x32xf32, #tpu.memory_space<hbm>> -> memref<1x512x32xf32, #tpu.memory_space<hbm>>
    %dma_wait3A_298 = tpu.memref_squeeze %dma_wait3A_297 : memref<1x512x32xf32, #tpu.memory_space<hbm>> -> memref<512x32xf32, #tpu.memory_space<hbm>>
    %dma_wait3A_299 = arith.constant 0 : i32
    %dma_wait3A_300 = arith.constant 0 : i32
    %dma_wait3A_301 = tpu.memref_slice %arg6[%dma_wait3A_284, %dma_wait3A_299, %dma_wait3A_300] : memref<5x512x32xf32, #tpu.memory_space<vmem>> -> memref<1x512x32xf32, #tpu.memory_space<vmem>>
    %dma_wait3A_302 = tpu.memref_squeeze %dma_wait3A_301 : memref<1x512x32xf32, #tpu.memory_space<vmem>> -> memref<512x32xf32, #tpu.memory_space<vmem>>
    tpu.wait_dma2 semaphore(%dma_wait3A_295 : memref<!tpu.dma_semaphore, #tpu.memory_space<semaphore_mem>>) src(%dma_wait3A_302 : memref<512x32xf32, #tpu.memory_space<vmem>>) dst(%dma_wait3A_298 : memref<512x32xf32, #tpu.memory_space<hbm>>)
    %dma_wait3A_303 = arith.constant 3 : i32
    %dma_wait3A_304 = arith.constant 48 : i32
    %dma_wait3A_305 = arith.constant 3 : i32
    %dma_wait3A_306 = arith.constant 0 : i32
    %dma_wait3A_307 = arith.constant 0 : i32
    %dma_wait3A_308 = tpu.memref_slice %arg6[%dma_wait3A_303, %dma_wait3A_306, %dma_wait3A_307] : memref<5x512x32xf32, #tpu.memory_space<vmem>> -> memref<1x512x32xf32, #tpu.memory_space<vmem>>
    %dma_wait3A_309 = tpu.memref_squeeze %dma_wait3A_308 : memref<1x512x32xf32, #tpu.memory_space<vmem>> -> memref<512x32xf32, #tpu.memory_space<vmem>>
    %dma_wait3A_310 = arith.constant 0 : i32
    %dma_wait3A_311 = tpu.memref_slice %arg4[%dma_wait3A_304, %mul3A_2, %dma_wait3A_310] : memref<50x16384x32xf32, #tpu.memory_space<hbm>> -> memref<1x512x32xf32, #tpu.memory_space<hbm>>
    %dma_wait3A_312 = tpu.memref_squeeze %dma_wait3A_311 : memref<1x512x32xf32, #tpu.memory_space<hbm>> -> memref<512x32xf32, #tpu.memory_space<hbm>>
    %dma_wait3A_313 = tpu.memref_slice %arg8[%dma_wait3A_305] : memref<5x!tpu.dma_semaphore, #tpu.memory_space<semaphore_mem>> -> memref<1x!tpu.dma_semaphore, #tpu.memory_space<semaphore_mem>>
    %dma_wait3A_314 = tpu.memref_squeeze %dma_wait3A_313 : memref<1x!tpu.dma_semaphore, #tpu.memory_space<semaphore_mem>> -> memref<!tpu.dma_semaphore, #tpu.memory_space<semaphore_mem>>
    %dma_wait3A_315 = arith.constant 0 : i32
    %dma_wait3A_316 = tpu.memref_slice %arg4[%dma_wait3A_304, %mul3A_2, %dma_wait3A_315] : memref<50x16384x32xf32, #tpu.memory_space<hbm>> -> memref<1x512x32xf32, #tpu.memory_space<hbm>>
    %dma_wait3A_317 = tpu.memref_squeeze %dma_wait3A_316 : memref<1x512x32xf32, #tpu.memory_space<hbm>> -> memref<512x32xf32, #tpu.memory_space<hbm>>
    %dma_wait3A_318 = arith.constant 0 : i32
    %dma_wait3A_319 = arith.constant 0 : i32
    %dma_wait3A_320 = tpu.memref_slice %arg6[%dma_wait3A_303, %dma_wait3A_318, %dma_wait3A_319] : memref<5x512x32xf32, #tpu.memory_space<vmem>> -> memref<1x512x32xf32, #tpu.memory_space<vmem>>
    %dma_wait3A_321 = tpu.memref_squeeze %dma_wait3A_320 : memref<1x512x32xf32, #tpu.memory_space<vmem>> -> memref<512x32xf32, #tpu.memory_space<vmem>>
    tpu.wait_dma2 semaphore(%dma_wait3A_314 : memref<!tpu.dma_semaphore, #tpu.memory_space<semaphore_mem>>) src(%dma_wait3A_321 : memref<512x32xf32, #tpu.memory_space<vmem>>) dst(%dma_wait3A_317 : memref<512x32xf32, #tpu.memory_space<hbm>>)
    %dma_wait3A_322 = arith.constant 4 : i32
    %dma_wait3A_323 = arith.constant 49 : i32
    %dma_wait3A_324 = arith.constant 4 : i32
    %dma_wait3A_325 = arith.constant 0 : i32
    %dma_wait3A_326 = arith.constant 0 : i32
    %dma_wait3A_327 = tpu.memref_slice %arg6[%dma_wait3A_322, %dma_wait3A_325, %dma_wait3A_326] : memref<5x512x32xf32, #tpu.memory_space<vmem>> -> memref<1x512x32xf32, #tpu.memory_space<vmem>>
    %dma_wait3A_328 = tpu.memref_squeeze %dma_wait3A_327 : memref<1x512x32xf32, #tpu.memory_space<vmem>> -> memref<512x32xf32, #tpu.memory_space<vmem>>
    %dma_wait3A_329 = arith.constant 0 : i32
    %dma_wait3A_330 = tpu.memref_slice %arg4[%dma_wait3A_323, %mul3A_2, %dma_wait3A_329] : memref<50x16384x32xf32, #tpu.memory_space<hbm>> -> memref<1x512x32xf32, #tpu.memory_space<hbm>>
    %dma_wait3A_331 = tpu.memref_squeeze %dma_wait3A_330 : memref<1x512x32xf32, #tpu.memory_space<hbm>> -> memref<512x32xf32, #tpu.memory_space<hbm>>
    %dma_wait3A_332 = tpu.memref_slice %arg8[%dma_wait3A_324] : memref<5x!tpu.dma_semaphore, #tpu.memory_space<semaphore_mem>> -> memref<1x!tpu.dma_semaphore, #tpu.memory_space<semaphore_mem>>
    %dma_wait3A_333 = tpu.memref_squeeze %dma_wait3A_332 : memref<1x!tpu.dma_semaphore, #tpu.memory_space<semaphore_mem>> -> memref<!tpu.dma_semaphore, #tpu.memory_space<semaphore_mem>>
    %dma_wait3A_334 = arith.constant 0 : i32
    %dma_wait3A_335 = tpu.memref_slice %arg4[%dma_wait3A_323, %mul3A_2, %dma_wait3A_334] : memref<50x16384x32xf32, #tpu.memory_space<hbm>> -> memref<1x512x32xf32, #tpu.memory_space<hbm>>
    %dma_wait3A_336 = tpu.memref_squeeze %dma_wait3A_335 : memref<1x512x32xf32, #tpu.memory_space<hbm>> -> memref<512x32xf32, #tpu.memory_space<hbm>>
    %dma_wait3A_337 = arith.constant 0 : i32
    %dma_wait3A_338 = arith.constant 0 : i32
    %dma_wait3A_339 = tpu.memref_slice %arg6[%dma_wait3A_322, %dma_wait3A_337, %dma_wait3A_338] : memref<5x512x32xf32, #tpu.memory_space<vmem>> -> memref<1x512x32xf32, #tpu.memory_space<vmem>>
    %dma_wait3A_340 = tpu.memref_squeeze %dma_wait3A_339 : memref<1x512x32xf32, #tpu.memory_space<vmem>> -> memref<512x32xf32, #tpu.memory_space<vmem>>
    tpu.wait_dma2 semaphore(%dma_wait3A_333 : memref<!tpu.dma_semaphore, #tpu.memory_space<semaphore_mem>>) src(%dma_wait3A_340 : memref<512x32xf32, #tpu.memory_space<vmem>>) dst(%dma_wait3A_336 : memref<512x32xf32, #tpu.memory_space<hbm>>)
    return
  }
}

</mosaic_0001>

<sc_bundles>
// kernel: kernel.3.cloned.1.call-start
scs
__scs_entry_jumppad:
0x0: {  	(pc) =	sbr.rel $0x88, $3  }
0x1: {  	(tag) =	ssettag $0x0;
	lr =	simm.s32 $0x1  }
0x2: {  	[smem:$0x3F9F] =	sst lr;
	_ =	strace $0xD0000000  }
0x3: {  	_ = 	snop  }
0x4: {  	_ = 	snop  }
0x5: {  	_ = 	snop  }
0x6: {  	_ = 	snop  }
0x7: {  	_ = 	snop  }
__scs_overlays_trampoline_lowered:
0x8: {  	[smem:$0x3FAE] =	sst s0  }
0x9: {  	[smem:$0x3FAF] =	sst s1  }
0xa: {  	[smem:$0x3FB0] =	sst s2  }
0xb: {  	[smem:$0x3FB1] =	sst s3  }
0xc: {  	[smem:$0x3FB2] =	sst s4  }
0xd: {  	[smem:$0x3FB3] =	sst s5  }
0xe: {  	[smem:$0x3FB4] =	sst s6  }
0xf: {  	[smem:$0x3FB5] =	sst s7  }
0x10: {  	[smem:$0x3FB6] =	sst s8  }
0x11: {  	[smem:$0x3FB7] =	sst s9;
	s0 =	simm.s32 @!p0 $0x0  }
0x12: {  	s1 =	sld [smem:$0x3F9D];
	s0 =	simm.s32 @p0 $0x1  }
0x13: {  	[smem:$0x3FB8] =	sst s0;
	s0 =	simm.s32 @!p1 $0x0  }
0x14: {  	s2 =	sld [smem:$0x3F9C];
	s0 =	simm.s32 @p1 $0x1  }
0x15: {  	[smem:$0x3FB9] =	sst s0;
	s0 =	simm.s32 @!p2 $0x0  }
0x16: {  	s3 =	sld [smem:$0x3FDB];
	s0 =	simm.s32 @p2 $0x1  }
0x17: {  	s4 =	simm.s32 $0x1BF5;
	[smem:$0x3FBB] =	sst s0  }
0x18: {  	s0 =	sld [smem:$0x3F9E];
	_ =	swait.ge [sflag:s4], $0x0  }
0x19: {  	s7 =	sld [smem:$0x3F9F]  }
0x1a: {  	s8 =	sadd.s32 $0xFFFFE003, lr  }
0x1b: {  	s9 =	sadd.s32 $0xFFFFFEF7, lr;
	s5 =	simm.s32 $0xFFFFFFFF;
	p2 =	slt.u32 s8, $0xFFFFF086  }
0x1c: {  	p1 =	slt.u32 s9, $0xF7A;
	s5 =	simm.s32 @!p2 $0x0  }
0x1d: {  	s5 =	simm.s32 @p1 $0x1;
	p0 =	seq.s32 s7, s2  }
0x1e: {  	s7 =	smul.u32 @!p0 $0xF7A, s2;
	p2 =	seq.s32 @!p0 s5, $0x0  }
0x1f: {  	s9 =	smul.u32 $0xF7A, s1;
	s8 =	simm.s32 @!p0 $0x1BF5;
	p2 =	por !p2, p0  }
0x20: {  	[sflag:s8] =	ssyncset.s32 @!p0 $0xFFFFF086;
	s6 =	sadd.s32 @!p0 s3, s7;
	s7 =	simm.s32 @!p0 $0x108  }
0x21: {  	s3 =	sadd.s32 s3, s9;
	s6 =	sadd.s32 @!p0 $0x88, s6;
	s7 =	simm.s32 @p2 $0x1082  }
0x22: {  	[simem:s7], [sflag:s8] =	dma.local @!p0 [hbm:s6], $0xF7A  }
0x23: {  	s9 =	sor.u32 $0xD0000000, s2;
	s6 =	simm.s32 $0x108;
	_ =	swait.ge @!p0 [sflag:s8], $0x0  }
0x24: {  	s3 =	sadd.s32 $0x88, s3;
	s6 =	simm.s32 @!p1 $0x1082;
	[sflag:s4] =	ssyncset.s32 $0xFFFFF086  }
0x25: {  	[simem:s6], [sflag:s4] =	dma.local [hbm:s3], $0xF7A  }
0x26: {  	[smem:$0x3F9F] =	sst s1;
	(tag) =	ssettag s2;
	_ =	strace s9  }
0x27: {  	s1 =	sld [smem:$0x3FAF]  }
0x28: {  	s2 =	sld [smem:$0x3FB0]  }
0x29: {  	s4 =	sld [smem:$0x3FB2]  }
0x2a: {  	p0 =	seq.s32 s5, $0x0;
	s5 =	sld [smem:$0x3FB3]  }
0x2b: {  	s6 =	sld [smem:$0x3FB4]  }
0x2c: {  	s7 =	sld [smem:$0x3FB5]  }
0x2d: {  	s3 =	simm.s32 $0x108;
	s8 =	sld [smem:$0x3FB6]  }
0x2e: {  	s3 =	simm.s32 @!p0 $0x1082;
	s9 =	sld [smem:$0x3FB7]  }
0x2f: {  	lr =	sadd.s32 s0, s3;
	s0 =	sld [smem:$0x3FAE]  }
0x30: {  	s3 =	sld [smem:$0x3FB1]  }
0x31: {  	[smem:$0x3FBA] =	sst s10  }
0x32: {  	s10 =	sld [smem:$0x3FB8];
	_ =	sdelay $0x3  }
0x33: {  	p0 =	seq.s32 s10, $0x1;
	s10 =	sld [smem:$0x3FBA];
	_ =	sdelay $0x3  }
0x34: {  	[smem:$0x3FBA] =	sst s10  }
0x35: {  	s10 =	sld [smem:$0x3FB9];
	_ =	sdelay $0x3  }
0x36: {  	p1 =	seq.s32 s10, $0x1;
	s10 =	sld [smem:$0x3FBA];
	_ =	sdelay $0x3  }
0x37: {  	[smem:$0x3FBA] =	sst s10  }
0x38: {  	s10 =	sld [smem:$0x3FBB]  }
0x39: {  	_ = 	snop;
	(pc) =	sbr.ind lr, $3  }
0x3a: {  	_ = 	snop  }
0x3b: {  	_ = 	snop  }
0x3c: {  	p2 =	seq.s32 s10, $0x1;
	s10 =	sld [smem:$0x3FBA]  }
0x3d: {  	_ =	shalt  }
0x3e: {  	_ =	shalt  }
0x3f: {  	_ =	shalt  }
0x40: {  	_ =	shalt  }
0x41: {  	_ =	shalt  }
0x42: {  	_ =	shalt  }
0x43: {  	_ =	shalt  }
0x44: {  	_ =	shalt  }
0x45: {  	_ =	shalt  }
0x46: {  	_ =	shalt  }
0x47: {  	_ =	shalt  }
0x48: {  	_ =	shalt  }
0x49: {  	_ =	shalt  }
0x4a: {  	_ =	shalt  }
0x4b: {  	_ =	shalt  }
0x4c: {  	_ =	shalt  }
0x4d: {  	_ =	shalt  }
0x4e: {  	_ =	shalt  }
0x4f: {  	_ =	shalt  }
0x50: {  	_ =	shalt  }
0x51: {  	_ =	shalt  }
0x52: {  	_ =	shalt  }
0x53: {  	_ =	shalt  }
0x54: {  	_ =	shalt  }
0x55: {  	_ =	shalt  }
0x56: {  	_ =	shalt  }
0x57: {  	_ =	shalt  }
0x58: {  	_ =	shalt  }
0x59: {  	_ =	shalt  }
0x5a: {  	_ =	shalt  }
0x5b: {  	_ =	shalt  }
0x5c: {  	_ =	shalt  }
0x5d: {  	_ =	shalt  }
0x5e: {  	_ =	shalt  }
0x5f: {  	_ =	shalt  }
0x60: {  	_ =	shalt  }
0x61: {  	_ =	shalt  }
0x62: {  	_ =	shalt  }
0x63: {  	_ =	shalt  }
0x64: {  	_ =	shalt  }
0x65: {  	_ =	shalt  }
0x66: {  	_ =	shalt  }
0x67: {  	_ =	shalt  }
0x68: {  	_ =	shalt  }
0x69: {  	_ =	shalt  }
0x6a: {  	_ =	shalt  }
0x6b: {  	_ =	shalt  }
0x6c: {  	_ =	shalt  }
0x6d: {  	_ =	shalt  }
0x6e: {  	_ =	shalt  }
0x6f: {  	_ =	shalt  }
0x70: {  	_ =	shalt  }
0x71: {  	_ =	shalt  }
0x72: {  	_ =	shalt  }
0x73: {  	_ =	shalt  }
0x74: {  	_ =	shalt  }
0x75: {  	_ =	shalt  }
0x76: {  	_ =	shalt  }
0x77: {  	_ =	shalt  }
0x78: {  	_ =	shalt  }
0x79: {  	_ =	shalt  }
0x7a: {  	_ =	shalt  }
0x7b: {  	_ =	shalt  }
0x7c: {  	_ =	shalt  }
0x7d: {  	_ =	shalt  }
0x7e: {  	_ =	shalt  }
0x7f: {  	_ =	shalt  }
0x80: {  	_ =	shalt  }
0x81: {  	_ =	shalt  }
0x82: {  	_ =	shalt  }
0x83: {  	_ =	shalt  }
0x84: {  	_ =	shalt  }
0x85: {  	_ =	shalt  }
0x86: {  	_ =	shalt  }
0x87: {  	_ =	shalt  }
.Lfunc_end0:
.L_simem_size_0:
called_computation.1_lowered:
.L_overlay_start_0:
0x88: {  	s2 =	sld [smem:$0x3FD9]  }
0x89: {  	s3 =	sld [smem:$0x3FFE];
	_ =	sdelay $0x1  }
0x8a: {  	s1 =	srdreg.scid  }
0x8b: {  	s0 =	sand.u32 $0x1, s1  }
0x8c: {  	s17 =	sshll.u32 s0, $0xA;
	s2 =	sadd.s32 s3, s2  }
0x8d: {  	s2 =	sadd.s32 s2, s17  }
0x8e: {  	[smem:$0x3FC6] =	sst s2  }
0x8f: {  	_ = 	snop  }
0x90: {  	s2 =	sld [smem:$0x3FD0];
	(tm) =	ssettm $0x1  }
0x91: {  	s18 =	sld [smem:$0x3FFB];
	_ =	sdelay $0x3  }
0x92: {  	_ =	strace s18  }
0x93: {  	s3 =	sld [smem:$0x3FFC];
	_ =	sdelay $0x3  }
0x94: {  	_ =	strace s3  }
0x95: {  	s3 =	sld [smem:$0x3FFD];
	_ =	sdelay $0x3  }
0x96: {  	_ =	strace s3  }
0x97: {  	_ =	strace $0x8FFFFFFF  }
0x98: {  	s19 =	sld [smem:$0x3FDB];
	_ =	sdelay $0x1  }
0x99: {  	s4 =	simm.s32 $_scs_section_size  }
0x9a: {  	s5 =	simm.s32 $_size__tile_overlayer_lowered;
	s6 =	simm.s32 $_tile_overlayer_lowered  }
0x9b: {  	s22 =	simm.s32 $0x1BFF;
	s21 =	sshll.u32 s6, $0x1;
	s3 =	sadd.s32 s4, s19  }
0x9c: {  	s7 =	simm.s32 $0x0;
	s20 =	sshll.u32 s5, $0x1;
	s5 =	sadd.s32 s21, s3  }
0x9d: {  	[timem:s7], [sflag:s22] =	dma.local [hbm:s5], s20  }
0x9e: {  	_ =	swait.ge [sflag:s22], s20  }
0x9f: {  	s4 =	ssub.s32 $0x0, s20;
	[sflag:s22] =	ssyncset.done $0x0  }
0xa0: {  	[sflag:s22] =	ssyncadd.s32 s4;
	_ =	sdelay $0x1  }
0xa1: {  	s23 =	simm.s32 $0x1B8B  }
0xa2: {  	_ =	swait.ge [sflag:s23], $0x1  }
0xa3: {  	[sflag:s23] =	ssyncset.done $0x0  }
0xa4: {  	s25 =	simm.s32 $0x1B8E;
	s24 =	sld [smem:$0x3FFE];
	[sflag:s23] =	ssyncadd.s32 $0xFFFFFFFF  }
0xa5: {  	s26 =	simm.s32 $execute0_lowered;
	[smem:$0x3FD2] =	sst s25  }
0xa6: {  	s5 =	sshll.u32 s26, $0x1;
	_ =	strace $0x80000046;
	[dreg:$0x1] =	wrdreg $0xFFFFFFFF  }
0xa7: {  	s28 =	simm.s32 $_size_execute0_lowered;
	s3 =	sadd.s32 s3, s5;
	[dreg:$0x0] =	wrdreg $0x0  }
0xa8: {  	s5 =	sshll.u32 s28, $0x1;
	[dreg:$0x2] =	wrdreg s3  }
0xa9: {  	[dreg:$0x3] =	wrdreg s5  }
0xaa: {  	[dreg:$0x4] =	wrdreg $0xC0  }
0xab: {  	_ =	task [dreg:s7], $0x5FFFF  }
0xac: {  	[dreg:$0x1] =	wrdreg $0xFFFFFFFF  }
0xad: {  	[dreg:$0x0] =	wrdreg $0x60  }
0xae: {  	[dreg:$0x2] =	wrdreg s24  }
0xaf: {  	[dreg:$0x3] =	wrdreg s2  }
0xb0: {  	[dreg:$0x4] =	wrdreg $0x9  }
0xb1: {  	_ =	task.clear_ibuf [dreg:s7], $0x5FFFF;
	_ =	strace $0x90000046  }
0xb2: {  	s29 =	simm.s32 $0x9;
	_ =	strace $0x80000048  }
0xb3: {  	_ =	swait.ge [sflag:s29], $0x1  }
0xb4: {  	[sflag:s29] =	ssyncadd.s32 $0xFFFFFFFF  }
0xb5: {  	_ =	strace $0x90000048  }
0xb6: {  	_ =	sfence  }
0xb7: {  	s30 =	sld [smem:$0x0];
	_ =	sdelay $0x2  }
0xb8: {  	s31 =	sshll.u32 s1, $0xD;
	s1 =	sshrl.u32 s1, $0x2  }
0xb9: {  	s3 =	sand.u32 $0x4000, s31;
	s1 =	sadd.s32 s1, s30  }
0xba: {  	s0 =	sor.u32 s3, s0;
	s1 =	sshll.u32 s1, $0x11  }
0xbb: {  	s0 =	sor.u32 s1, s0  }
0xbc: {  	s0 =	sadd.s32 $0x8F2B, s0  }
0xbd: {  	[sflag:s0] =	ssyncadd.remote.s32 $0x1  }
0xbe: {  	_ =	sfence.sel $0xFFFF  }
0xbf: {  	[dreg:$0x0] =	wrdreg $0xFFFFFFFF;
	(pc) =	sbr.abs _section_cstart, $3  }
0xc0: {  	[dreg:$0x1] =	wrdreg $0xFFFFFFFF  }
0xc1: {  	_ =	task.clear_ibuf [dreg:s7], $0x2FFFF;
	_ =	strace $0x9FFFFFFF  }
0xc2: {  	(tm) =	ssettm $0x7FFFFFFF  }
0xc3: {  	_ =	shalt  }
tec
execute0_lowered:
.L_overlay_start_1:
0x0: {  	(tag) =	ssettag $0x1  }
0x1: {  	s0 =	rddreg [dreg:$0x0]  }
0x2: {  	s1 =	rddreg [dreg:$0x1]  }
0x3: {  	s2 =	srdreg.scid;
	s8 =	stileid.u32  }
0x4: {  	s9 =	simm.s32 $0x0;
	s25 =	simm.s32 $0x17400;
	s26 =	simm.s32 $0x18400  }
0x5: {  	s30 =	simm.s32 $0x19400;
	s29 =	simm.s32 $0x3;
	s31 =	simm.s32 $0x5  }
0x6: {  	s28 =	simm.s32 $0x0;
	s4 =	sand.u32 $0x1, s2;
	[smem:$0x7FF] =	sst s9  }
0x7: {  	s3 =	sshll.u32 s8, $0xA;
	_ =	strace $0x80000047;
	[dreg:$0x3] =	wrdreg s25  }
0x8: {  	s12 =	sshll.u32 s8, $0xF;
	s5 =	sshll.u32 s4, $0x9;
	[dreg:$0x4] =	wrdreg s26  }
0x9: {  	s6 =	ssub.s32 $0x2, s4;
	s4 =	sshll.u32 s4, $0xE;
	[dreg:$0x5] =	wrdreg s30  }
0xa: {  	s5 =	sor.u32 s5, s3;
	s10 =	sshrl.u32 s6, $0x1;
	s4 =	sor.u32 s4, s12  }
0xb: {  	s3 =	sshrl.u32 s5, $0x3;
	s5 =	sshll.u32 s5, $0x2;
	s15 =	sor.u32 $0x180000, s4  }
0xc: {  	s17 =	sor.u32 $0x100000, s4;
	s19 =	sor.u32 $0x80000, s4;
	s7 =	sadd.s32 s3, s0  }
0xd: {  	s3 =	sadd.s32 $0xF42E00, s0;
	s0 =	ssub.s32 s6, s10;
	s11 =	sadd.s32 $0xA00, s7  }
0xe: {  	s5 =	sadd.s32 s5, s1;
	s0 =	smax.u32 s0, $0x1;
	[dreg:$0x8] =	wrdreg s11  }
0xf: {  	s21 =	sor.u32 $0x200000, s4;
	s13 =	sadd.s32 $0x2E0000, s5;
	[dreg:$0x9] =	wrdreg s0  }
0x10: {  	s23 =	sshrl.u32 s21, $0x3;
	s14 =	sadd.s32 $0x300000, s5;
	[dreg:$0x6] =	wrdreg s13  }
0x11: {  	s16 =	sshrl.u32 s15, $0x3;
	s24 =	sadd.s32 s23, s1;
	[dreg:$0x7] =	wrdreg s14  }
0x12: {  	s18 =	sshrl.u32 s17, $0x3;
	s0 =	sadd.s32 s16, s1;
	[dreg:$0xe] =	wrdreg s24  }
0x13: {  	s20 =	sshrl.u32 s19, $0x3;
	[dreg:$0xa] =	wrdreg s0;
	s0 =	sadd.s32 s18, s1  }
0x14: {  	s22 =	sshrl.u32 s4, $0x3;
	[dreg:$0xb] =	wrdreg s0;
	s0 =	sadd.s32 s20, s1  }
0x15: {  	s2 =	simm.s32 $0x0;
	[dreg:$0xc] =	wrdreg s0;
	s0 =	sadd.s32 s22, s1  }
0x16: {  	s6 =	simm.s32 $0x16400;
	s14 =	simm.s32 $0x80;
	[dreg:$0xd] =	wrdreg s0  }
.LBB2_1:
0x17: {  	[dreg:$0xf] =	wrdreg s2  }
0x18: {  	s2 =	simm.s32 $0x0;
	s0 =	rddreg [dreg:$0x8]  }
0x19: {  	s1 =	simm.s32 $0x200;
	s4 =	simm.s32 $0x4000;
	s12 =	simm.s32 $0xB  }
0x1a: {  	[tilespmem:s2], [sflag:$0xB] =	stream.strided.gather [hbm4b:s0+s1], $0x6400, s4, s1, $0x38;
	[tilespmem:$0x1A400] =	vst v63  }
0x1b: {  	_ =	swait.ge [sflag:s12], $0x6400  }
0x1c: {  	[sflag:s12] =	ssyncset.done $0x0  }
0x1d: {  	s4 =	simm.s32 $0x6400;
	[sflag:s12] =	ssyncadd.s32 $0xFFFF9C00  }
0x1e: {  	[tilespmem:s4], [sflag:$0x1] =	stream.indirect.gather [hbm4b:s3+s14], $0x20, s2, s14, $0xb8;
	[tilespmem:$0x1A400] =	vst v63  }
0x1f: {  	s13 =	simm.s32 $0x7400  }
0x20: {  	[tilespmem:s13], [sflag:$0x1] =	stream.indirect.gather [hbm4b:s3+s14], $0x20, s14, s14, $0xb8;
	[tilespmem:$0x1A400] =	vst v63  }
0x21: {  	s15 =	simm.s32 $0x100;
	s5 =	simm.s32 $0x8400  }
0x22: {  	[tilespmem:s5], [sflag:$0x1] =	stream.indirect.gather [hbm4b:s3+s14], $0x20, s15, s14, $0xb8;
	[tilespmem:$0x1A400] =	vst v63  }
0x23: {  	s16 =	simm.s32 $0x180;
	s17 =	simm.s32 $0x9400  }
0x24: {  	[tilespmem:s17], [sflag:$0x1] =	stream.indirect.gather [hbm4b:s3+s14], $0x20, s16, s14, $0xb8;
	[tilespmem:$0x1A400] =	vst v63  }
0x25: {  	s18 =	simm.s32 $0xA400  }
0x26: {  	[tilespmem:s18], [sflag:$0x2] =	stream.indirect.gather [hbm4b:s3+s14], $0x20, s1, s14, $0xb8;
	[tilespmem:$0x1A400] =	vst v63  }
0x27: {  	s19 =	simm.s32 $0x280;
	s20 =	simm.s32 $0xB400  }
0x28: {  	[tilespmem:s20], [sflag:$0x2] =	stream.indirect.gather [hbm4b:s3+s14], $0x20, s19, s14, $0xb8;
	[tilespmem:$0x1A400] =	vst v63  }
0x29: {  	s21 =	simm.s32 $0x300;
	s22 =	simm.s32 $0xC400  }
0x2a: {  	[tilespmem:s22], [sflag:$0x2] =	stream.indirect.gather [hbm4b:s3+s14], $0x20, s21, s14, $0xb8;
	[tilespmem:$0x1A400] =	vst v63  }
0x2b: {  	s23 =	simm.s32 $0x380;
	s24 =	simm.s32 $0xD400  }
0x2c: {  	[tilespmem:s24], [sflag:$0x2] =	stream.indirect.gather [hbm4b:s3+s14], $0x20, s23, s14, $0xb8;
	[tilespmem:$0x1A400] =	vst v63  }
0x2d: {  	s25 =	simm.s32 $0x400;
	s11 =	simm.s32 $0xE400  }
0x2e: {  	[tilespmem:s11], [sflag:$0x3] =	stream.indirect.gather [hbm4b:s3+s14], $0x20, s25, s14, $0xb8;
	[tilespmem:$0x1A400] =	vst v63  }
0x2f: {  	s26 =	simm.s32 $0x480;
	s30 =	simm.s32 $0xF400  }
0x30: {  	[tilespmem:s30], [sflag:$0x3] =	stream.indirect.gather [hbm4b:s3+s14], $0x20, s26, s14, $0xb8;
	[tilespmem:$0x1A400] =	vst v63  }
0x31: {  	s5 =	simm.s32 $0x10400;
	s1 =	simm.s32 $0x500  }
0x32: {  	[tilespmem:s5], [sflag:$0x3] =	stream.indirect.gather [hbm4b:s3+s14], $0x20, s1, s14, $0xb8;
	[tilespmem:$0x1A400] =	vst v63  }
0x33: {  	s7 =	simm.s32 $0x580;
	s8 =	simm.s32 $0x11400  }
0x34: {  	[tilespmem:s8], [sflag:$0x3] =	stream.indirect.gather [hbm4b:s3+s14], $0x20, s7, s14, $0xb8;
	[tilespmem:$0x1A400] =	vst v63  }
0x35: {  	s9 =	simm.s32 $0x600;
	s10 =	simm.s32 $0x12400  }
0x36: {  	[tilespmem:s10], [sflag:$0x4] =	stream.indirect.gather [hbm4b:s3+s14], $0x20, s9, s14, $0xb8;
	[tilespmem:$0x1A400] =	vst v63  }
0x37: {  	p0 =	por $0x1, $0x1;
	s12 =	simm.s32 $0x680;
	s13 =	simm.s32 $0x13400  }
0x38: {  	[tilespmem:s13], [sflag:$0x4] =	stream.indirect.gather [hbm4b:s3+s14], $0x20, s12, s14, $0xb8;
	[tilespmem:$0x1A400] =	vst v63  }
0x39: {  	p0 =	por p0, p0;
	s15 =	simm.s32 $0x700;
	s16 =	simm.s32 $0x14400  }
0x3a: {  	[tilespmem:s16], [sflag:$0x4] =	stream.indirect.gather [hbm4b:s3+s14], $0x20, s15, s14, $0xb8;
	[tilespmem:$0x1A400] =	vst v63  }
0x3b: {  	s0 =	simm.s32 @!p0 $0xA;
	s17 =	simm.s32 $0x780;
	s18 =	simm.s32 $0x15400  }
0x3c: {  	[tilespmem:s18], [sflag:$0x4] =	stream.indirect.gather [hbm4b:s3+s14], $0x20, s17, s14, $0xb8;
	[tilespmem:$0x1A400] =	vst v63  }
0x3d: {  	_ =	swait.ge @!p0 [sflag:s0], $0x4000  }
0x3e: {  	[sflag:s0] =	ssyncset.done @!p0 $0x0  }
0x3f: {  	s19 =	simm.s32 $0x800;
	[sflag:s0] =	ssyncadd.s32 @!p0 $0xFFFFC000  }
0x40: {  	[tilespmem:s6], [sflag:$0x5] =	stream.indirect.gather [hbm4b:s3+s14], $0x20, s19, s14, $0xb8;
	[tilespmem:$0x1A400] =	vst v63  }
0x41: {  	s21 =	simm.s32 $0x880;
	s20 =	rddreg [dreg:$0x3]  }
0x42: {  	[tilespmem:s20], [sflag:$0x5] =	stream.indirect.gather [hbm4b:s3+s14], $0x20, s21, s14, $0xb8;
	[tilespmem:$0x1A400] =	vst v63  }
0x43: {  	s23 =	simm.s32 $0x900;
	s22 =	rddreg [dreg:$0x4]  }
0x44: {  	[tilespmem:s22], [sflag:$0x5] =	stream.indirect.gather [hbm4b:s3+s14], $0x20, s23, s14, $0xb8;
	[tilespmem:$0x1A400] =	vst v63  }
0x45: {  	s25 =	simm.s32 $0x980;
	s26 =	simm.s32 $0x1;
	s24 =	rddreg [dreg:$0x5]  }
0x46: {  	[tilespmem:s24], [sflag:$0x5] =	stream.indirect.gather [hbm4b:s3+s14], $0x20, s25, s14, $0xb8;
	[tilespmem:$0x1A400] =	vst v63  }
0x47: {  	_ =	swait.ge [sflag:s26], $0x4000  }
0x48: {  	p1 =	por $0x0, $0x0;
	[sflag:s26] =	ssyncset.done $0x0  }
0x49: {  	s0 =	simm.s32 @p1 $0x2;
	s10 =	rddreg [dreg:$0xd];
	[sflag:s26] =	ssyncadd.s32 $0xFFFFC000  }
0x4a: {  	[hbm4b:s10+s2] =	stream.linear.scatter [tilespmem:s4], [sflag:$0x6], $0x4000, $0x38;
	[tilespmem:$0x1A400] =	vst v63  }
0x4b: {  	_ =	swait.ge @p1 [sflag:s0], $0x4000  }
0x4c: {  	s5 =	simm.s32 @p1 $0x0;
	s6 =	simm.s32 @!p1 $0x6;
	[sflag:s0] =	ssyncset.done @p1 $0x0  }
0x4d: {  	s1 =	rddreg [dreg:$0x6];
	[sflag:s0] =	ssyncadd.s32 @p1 $0xFFFFC000;
	s0 =	simm.s32 @p1 $0xA400  }
0x4e: {  	[hbm4b:s1+s5] =	stream.linear.scatter @p1 [tilespmem:s0], [sflag:$0x7], $0x4000, $0x38;
	[tilespmem:$0x1A400] =	vst v63  }
0x4f: {  	_ =	swait.ge @!p1 [sflag:s6], $0x4000  }
0x50: {  	s7 =	simm.s32 @!p1 $0x6400;
	[sflag:s6] =	ssyncset.done @!p1 $0x0  }
0x51: {  	s1 =	simm.s32 @!p1 $0xA00;
	s0 =	simm.s32 @!p1 $0x80;
	[sflag:s6] =	ssyncadd.s32 @!p1 $0xFFFFC000  }
0x52: {  	[tilespmem:s7], [sflag:$0x1] =	stream.indirect.gather @!p1 [hbm4b:s3+s0], $0x20, s1, s0, $0xb8;
	[tilespmem:$0x1A400] =	vst v63  }
0x53: {  	s6 =	simm.s32 @!p1 $0x7400;
	s1 =	simm.s32 @!p1 $0xA80  }
0x54: {  	[tilespmem:s6], [sflag:$0x1] =	stream.indirect.gather @!p1 [hbm4b:s3+s0], $0x20, s1, s0, $0xb8;
	[tilespmem:$0x1A400] =	vst v63  }
0x55: {  	s1 =	simm.s32 @!p1 $0xB00;
	s6 =	simm.s32 @!p1 $0x8400  }
0x56: {  	[tilespmem:s6], [sflag:$0x1] =	stream.indirect.gather @!p1 [hbm4b:s3+s0], $0x20, s1, s0, $0xb8;
	[tilespmem:$0x1A400] =	vst v63  }
0x57: {  	s7 =	simm.s32 @!p1 $0x2;
	s1 =	simm.s32 @!p1 $0xB80;
	s6 =	simm.s32 @!p1 $0x9400  }
0x58: {  	[tilespmem:s6], [sflag:$0x1] =	stream.indirect.gather @!p1 [hbm4b:s3+s0], $0x20, s1, s0, $0xb8;
	[tilespmem:$0x1A400] =	vst v63  }
0x59: {  	_ =	swait.ge @!p1 [sflag:s7], $0x4000  }
0x5a: {  	s1 =	simm.s32 @!p1 $0x0;
	s6 =	simm.s32 @!p1 $0xA400;
	[sflag:s7] =	ssyncset.done @!p1 $0x0  }
0x5b: {  	s9 =	rddreg [dreg:$0xc];
	[sflag:s7] =	ssyncadd.s32 @!p1 $0xFFFFC000;
	s7 =	simm.s32 @!p1 $0x7  }
0x5c: {  	[hbm4b:s9+s1] =	stream.linear.scatter @!p1 [tilespmem:s6], [sflag:$0x7], $0x4000, $0x38;
	[tilespmem:$0x1A400] =	vst v63  }
0x5d: {  	_ =	swait.ge @!p1 [sflag:s7], $0x4000  }
0x5e: {  	[sflag:s7] =	ssyncset.done @!p1 $0x0  }
0x5f: {  	s8 =	simm.s32 @!p1 $0xC00;
	[sflag:s7] =	ssyncadd.s32 @!p1 $0xFFFFC000  }
0x60: {  	[tilespmem:s6], [sflag:$0x2] =	stream.indirect.gather @!p1 [hbm4b:s3+s0], $0x20, s8, s0, $0xb8;
	[tilespmem:$0x1A400] =	vst v63  }
0x61: {  	s7 =	simm.s32 @!p1 $0xB400;
	s6 =	simm.s32 @!p1 $0xC80  }
0x62: {  	[tilespmem:s7], [sflag:$0x2] =	stream.indirect.gather @!p1 [hbm4b:s3+s0], $0x20, s6, s0, $0xb8;
	[tilespmem:$0x1A400] =	vst v63  }
0x63: {  	s6 =	simm.s32 @!p1 $0xD00;
	s7 =	simm.s32 @!p1 $0xC400  }
0x64: {  	[tilespmem:s7], [sflag:$0x2] =	stream.indirect.gather @!p1 [hbm4b:s3+s0], $0x20, s6, s0, $0xb8;
	[tilespmem:$0x1A400] =	vst v63  }
0x65: {  	s6 =	simm.s32 @!p1 $0xD80;
	s7 =	simm.s32 @!p1 $0xD400  }
0x66: {  	[tilespmem:s7], [sflag:$0x2] =	stream.indirect.gather @!p1 [hbm4b:s3+s0], $0x20, s6, s0, $0xb8;
	[tilespmem:$0x1A400] =	vst v63  }
0x67: {  	_ =	swait.ge [sflag:s29], $0x4000  }
0x68: {  	[sflag:s29] =	ssyncset.done $0x0  }
0x69: {  	s6 =	simm.s32 @p1 $0x4;
	s30 =	rddreg [dreg:$0xb];
	[sflag:s29] =	ssyncadd.s32 $0xFFFFC000  }
0x6a: {  	[hbm4b:s30+s2] =	stream.linear.scatter [tilespmem:s11], [sflag:$0x8], $0x4000, $0x38;
	[tilespmem:$0x1A400] =	vst v63  }
0x6b: {  	_ =	swait.ge @p1 [sflag:s6], $0x4000  }
0x6c: {  	s8 =	simm.s32 @!p1 $0x8;
	[sflag:s6] =	ssyncset.done @p1 $0x0  }
0x6d: {  	s7 =	rddreg [dreg:$0x7];
	[sflag:s6] =	ssyncadd.s32 @p1 $0xFFFFC000;
	s6 =	simm.s32 @p1 $0x12400  }
0x6e: {  	[hbm4b:s7+s5] =	stream.linear.scatter @p1 [tilespmem:s6], [sflag:$0x9], $0x4000, $0x38;
	[tilespmem:$0x1A400] =	vst v63  }
0x6f: {  	_ =	swait.ge @!p1 [sflag:s8], $0x4000  }
0x70: {  	[sflag:s8] =	ssyncset.done @!p1 $0x0  }
0x71: {  	s5 =	simm.s32 @!p1 $0xE00;
	s6 =	simm.s32 @!p1 $0xE400;
	[sflag:s8] =	ssyncadd.s32 @!p1 $0xFFFFC000  }
0x72: {  	[tilespmem:s6], [sflag:$0x3] =	stream.indirect.gather @!p1 [hbm4b:s3+s0], $0x20, s5, s0, $0xb8;
	[tilespmem:$0x1A400] =	vst v63  }
0x73: {  	s5 =	simm.s32 @!p1 $0xE80;
	s6 =	simm.s32 @!p1 $0xF400  }
0x74: {  	[tilespmem:s6], [sflag:$0x3] =	stream.indirect.gather @!p1 [hbm4b:s3+s0], $0x20, s5, s0, $0xb8;
	[tilespmem:$0x1A400] =	vst v63  }
0x75: {  	s5 =	simm.s32 @!p1 $0xF00;
	s6 =	simm.s32 @!p1 $0x10400  }
0x76: {  	[tilespmem:s6], [sflag:$0x3] =	stream.indirect.gather @!p1 [hbm4b:s3+s0], $0x20, s5, s0, $0xb8;
	[tilespmem:$0x1A400] =	vst v63  }
0x77: {  	s7 =	simm.s32 @!p1 $0x4;
	s5 =	simm.s32 @!p1 $0xF80;
	s6 =	simm.s32 @!p1 $0x11400  }
0x78: {  	[tilespmem:s6], [sflag:$0x3] =	stream.indirect.gather @!p1 [hbm4b:s3+s0], $0x20, s5, s0, $0xb8;
	[tilespmem:$0x1A400] =	vst v63  }
0x79: {  	_ =	swait.ge @!p1 [sflag:s7], $0x4000  }
0x7a: {  	s5 =	simm.s32 @!p1 $0x12400;
	[sflag:s7] =	ssyncset.done @!p1 $0x0  }
0x7b: {  	s6 =	simm.s32 @!p1 $0x9;
	s2 =	rddreg [dreg:$0xa];
	[sflag:s7] =	ssyncadd.s32 @!p1 $0xFFFFC000  }
0x7c: {  	[hbm4b:s2+s1] =	stream.linear.scatter @!p1 [tilespmem:s5], [sflag:$0x9], $0x4000, $0x38;
	[tilespmem:$0x1A400] =	vst v63  }
0x7d: {  	p6 =	por $0x0, $0x0;
	_ =	swait.ge @!p1 [sflag:s6], $0x4000  }
0x7e: {  	p0 =	por p6, p6;
	s23 =	simm.s32 $0x2800;
	[sflag:s6] =	ssyncset.done @!p1 $0x0  }
0x7f: {  	s25 =	simm.s32 $0x5000;
	s1 =	simm.s32 @!p1 $0x1000;
	[sflag:s6] =	ssyncadd.s32 @!p1 $0xFFFFC000  }
0x80: {  	[tilespmem:s5], [sflag:$0x4] =	stream.indirect.gather @!p1 [hbm4b:s3+s0], $0x20, s1, s0, $0xb8;
	[tilespmem:$0x1A400] =	vst v63  }
0x81: {  	s24 =	sadd.s32 $0x50000, s10;
	s1 =	simm.s32 @!p1 $0x1080;
	s5 =	simm.s32 @!p1 $0x13400  }
0x82: {  	[tilespmem:s5], [sflag:$0x4] =	stream.indirect.gather @!p1 [hbm4b:s3+s0], $0x20, s1, s0, $0xb8;
	[tilespmem:$0x1A400] =	vst v63  }
0x83: {  	s22 =	sadd.s32 $0x50000, s9;
	s6 =	simm.s32 @!p1 $0x14400;
	s1 =	simm.s32 @!p1 $0x1100  }
0x84: {  	[tilespmem:s6], [sflag:$0x4] =	stream.indirect.gather @!p1 [hbm4b:s3+s0], $0x20, s1, s0, $0xb8;
	[tilespmem:$0x1A400] =	vst v63  }
0x85: {  	s21 =	sadd.s32 $0x50000, s30;
	s5 =	simm.s32 @!p1 $0x1180;
	s1 =	simm.s32 @!p1 $0x15400  }
0x86: {  	[tilespmem:s1], [sflag:$0x4] =	stream.indirect.gather @!p1 [hbm4b:s3+s0], $0x20, s5, s0, $0xb8;
	[tilespmem:$0x1A400] =	vst v63  }
0x87: {  	s20 =	sadd.s32 $0x50000, s2;
	s10 =	rddreg [dreg:$0xe];
	_ =	swait.ge [sflag:s31], $0x4000  }
0x88: {  	s19 =	sadd.s32 $0x50000, s10;
	s0 =	simm.s32 @!p0 $0xA;
	[sflag:s31] =	ssyncset.done $0x0  }
.LBB2_2:
0x89: {  	[sflag:s31] =	ssyncadd.s32 $0xFFFFC000;
	s2 =	simm.s32 $0x16400  }
0x8a: {  	[hbm4b:s10+s28] =	stream.linear.scatter [tilespmem:s2], [sflag:$0xA], $0x4000, $0x38;
	[tilespmem:$0x1A400] =	vst v63  }
0x8b: {  	_ =	swait.ge @!p0 [sflag:s0], $0x4000  }
0x8c: {  	p2 =	seq.s32 s25, $0x0;
	s5 =	sshra.s32 s23, $0x2;
	[sflag:s0] =	ssyncset.done @!p0 $0x0  }
0x8d: {  	s1 =	smov.u32 s25;
	s12 =	sadd.s32 $0x800, s5;
	[sflag:s0] =	ssyncadd.s32 @!p0 $0xFFFFC000  }
0x8e: {  	[tilespmem:s2], [sflag:$0x5] =	stream.indirect.gather [hbm4b:s3+s14], $0x20, s12, s14, $0xb8;
	[tilespmem:$0x1A400] =	vst v63  }
0x8f: {  	s18 =	simm.s32 $0x1;
	s13 =	sadd.s32 $0x880, s5;
	s6 =	rddreg [dreg:$0x3]  }
0x90: {  	[tilespmem:s6], [sflag:$0x5] =	stream.indirect.gather [hbm4b:s3+s14], $0x20, s13, s14, $0xb8;
	[tilespmem:$0x1A400] =	vst v63  }
0x91: {  	s15 =	sadd.s32 $0x900, s5;
	s17 =	sadd.s32 $0x980, s5;
	s7 =	rddreg [dreg:$0x4]  }
0x92: {  	[tilespmem:s7], [sflag:$0x5] =	stream.indirect.gather [hbm4b:s3+s14], $0x20, s15, s14, $0xb8;
	[tilespmem:$0x1A400] =	vst v63  }
0x93: {  	s16 =	rddreg [dreg:$0x5];
	p0 =	por p2, p2;
	p2 =	seq.s32 s23, $0x16800  }
0x94: {  	[tilespmem:s16], [sflag:$0x5] =	stream.indirect.gather [hbm4b:s3+s14], $0x20, s17, s14, $0xb8;
	[tilespmem:$0x1A400] =	vst v63  }
0x95: {  	s26 =	simm.s32 $0x6400;
	s0 =	simm.s32 @p2 $0x2;
	_ =	swait.ge [sflag:s18], $0x4000  }
0x96: {  	s12 =	simm.s32 @p2 $0x0;
	s8 =	simm.s32 @!p2 $0x6;
	[sflag:s18] =	ssyncset.done $0x0  }
0x97: {  	s2 =	simm.s32 @!p2 $0x2;
	s13 =	simm.s32 @!p2 $0x7400;
	[sflag:s18] =	ssyncadd.s32 $0xFFFFC000  }
0x98: {  	[hbm4b:s24+s28] =	stream.linear.scatter [tilespmem:s26], [sflag:$0x6], $0x4000, $0x38;
	[tilespmem:$0x1A400] =	vst v63  }
0x99: {  	s7 =	sshra.s32 @!p2 s23, $0x2;
	s23 =	smov.u32 s1;
	_ =	swait.ge @p2 [sflag:s0], $0x4000  }
0x9a: {  	s1 =	sadd.s32 @!p2 $0xA00, s7;
	s6 =	sadd.s32 @!p2 $0xA80, s7;
	[sflag:s0] =	ssyncset.done @p2 $0x0  }
0x9b: {  	s5 =	rddreg [dreg:$0x6];
	[sflag:s0] =	ssyncadd.s32 @p2 $0xFFFFC000;
	s0 =	simm.s32 @p2 $0xA400  }
0x9c: {  	[hbm4b:s5+s12] =	stream.linear.scatter @p2 [tilespmem:s0], [sflag:$0x7], $0x4000, $0x38;
	[tilespmem:$0x1A400] =	vst v63  }
0x9d: {  	s11 =	sadd.s32 @!p2 $0xB00, s7;
	s9 =	sadd.s32 @!p2 $0xB80, s7;
	_ =	swait.ge @!p2 [sflag:s8], $0x4000  }
0x9e: {  	s4 =	sadd.s32 @!p2 $0xC00, s7;
	s15 =	sadd.s32 @!p2 $0xD00, s7;
	[sflag:s8] =	ssyncset.done @!p2 $0x0  }
0x9f: {  	s5 =	simm.s32 @!p2 $0x80;
	s0 =	simm.s32 @!p2 $0x6400;
	[sflag:s8] =	ssyncadd.s32 @!p2 $0xFFFFC000  }
0xa0: {  	[tilespmem:s0], [sflag:$0x1] =	stream.indirect.gather @!p2 [hbm4b:s3+s5], $0x20, s1, s5, $0xb8;
	[tilespmem:$0x1A400] =	vst v63  }
0xa1: {  	s30 =	sadd.s32 @!p2 $0xD80, s7;
	s17 =	sadd.s32 @!p2 $0xE80, s7;
	s16 =	sadd.s32 @!p2 $0xF80, s7  }
0xa2: {  	[tilespmem:s13], [sflag:$0x1] =	stream.indirect.gather @!p2 [hbm4b:s3+s5], $0x20, s6, s5, $0xb8;
	[tilespmem:$0x1A400] =	vst v63  }
0xa3: {  	s18 =	sadd.s32 @!p2 $0xC80, s7;
	s26 =	simm.s32 @!p2 $0x9400;
	s0 =	simm.s32 @!p2 $0x8400  }
0xa4: {  	[tilespmem:s0], [sflag:$0x1] =	stream.indirect.gather @!p2 [hbm4b:s3+s5], $0x20, s11, s5, $0xb8;
	[tilespmem:$0x1A400] =	vst v63  }
0xa5: {  	s8 =	sadd.s32 @!p2 $0xE00, s7;
	s1 =	sadd.s32 @!p2 $0x1000, s7;
	s6 =	sadd.s32 @!p2 $0xF00, s7  }
0xa6: {  	[tilespmem:s26], [sflag:$0x1] =	stream.indirect.gather @!p2 [hbm4b:s3+s5], $0x20, s9, s5, $0xb8;
	[tilespmem:$0x1A400] =	vst v63  }
0xa7: {  	s13 =	sadd.s32 @!p2 $0x1080, s7;
	s0 =	sadd.s32 @!p2 $0x1100, s7;
	_ =	swait.ge @!p2 [sflag:s2], $0x4000  }
0xa8: {  	s11 =	sadd.s32 @!p2 $0x1180, s7;
	s7 =	simm.s32 @!p2 $0x0;
	[sflag:s2] =	ssyncset.done @!p2 $0x0  }
0xa9: {  	s9 =	simm.s32 @!p2 $0xA400;
	[sflag:s2] =	ssyncadd.s32 @!p2 $0xFFFFC000;
	s2 =	simm.s32 @!p2 $0x7  }
0xaa: {  	[hbm4b:s22+s7] =	stream.linear.scatter @!p2 [tilespmem:s9], [sflag:$0x7], $0x4000, $0x38;
	[tilespmem:$0x1A400] =	vst v63  }
0xab: {  	_ =	swait.ge @!p2 [sflag:s2], $0x4000  }
0xac: {  	[sflag:s2] =	ssyncset.done @!p2 $0x0  }
0xad: {  	[sflag:s2] =	ssyncadd.s32 @!p2 $0xFFFFC000  }
0xae: {  	[tilespmem:s9], [sflag:$0x2] =	stream.indirect.gather @!p2 [hbm4b:s3+s5], $0x20, s4, s5, $0xb8;
	[tilespmem:$0x1A400] =	vst v63  }
0xaf: {  	s2 =	simm.s32 @!p2 $0xB400  }
0xb0: {  	[tilespmem:s2], [sflag:$0x2] =	stream.indirect.gather @!p2 [hbm4b:s3+s5], $0x20, s18, s5, $0xb8;
	[tilespmem:$0x1A400] =	vst v63  }
0xb1: {  	s4 =	simm.s32 @!p2 $0xC400  }
0xb2: {  	[tilespmem:s4], [sflag:$0x2] =	stream.indirect.gather @!p2 [hbm4b:s3+s5], $0x20, s15, s5, $0xb8;
	[tilespmem:$0x1A400] =	vst v63  }
0xb3: {  	s2 =	simm.s32 @!p2 $0xD400  }
0xb4: {  	[tilespmem:s2], [sflag:$0x2] =	stream.indirect.gather @!p2 [hbm4b:s3+s5], $0x20, s30, s5, $0xb8;
	[tilespmem:$0x1A400] =	vst v63  }
0xb5: {  	_ =	swait.ge [sflag:s29], $0x4000  }
0xb6: {  	[sflag:s29] =	ssyncset.done $0x0  }
0xb7: {  	s2 =	simm.s32 @p2 $0x4;
	s30 =	simm.s32 $0xE400;
	[sflag:s29] =	ssyncadd.s32 $0xFFFFC000  }
0xb8: {  	[hbm4b:s21+s28] =	stream.linear.scatter [tilespmem:s30], [sflag:$0x8], $0x4000, $0x38;
	[tilespmem:$0x1A400] =	vst v63  }
0xb9: {  	_ =	swait.ge @p2 [sflag:s2], $0x4000  }
0xba: {  	s9 =	simm.s32 @!p2 $0x8;
	[sflag:s2] =	ssyncset.done @p2 $0x0  }
0xbb: {  	s4 =	rddreg [dreg:$0x7];
	[sflag:s2] =	ssyncadd.s32 @p2 $0xFFFFC000;
	s2 =	simm.s32 @p2 $0x12400  }
0xbc: {  	[hbm4b:s4+s12] =	stream.linear.scatter @p2 [tilespmem:s2], [sflag:$0x9], $0x4000, $0x38;
	[tilespmem:$0x1A400] =	vst v63  }
0xbd: {  	_ =	swait.ge @!p2 [sflag:s9], $0x4000  }
0xbe: {  	[sflag:s9] =	ssyncset.done @!p2 $0x0  }
0xbf: {  	s2 =	simm.s32 @!p2 $0xE400;
	[sflag:s9] =	ssyncadd.s32 @!p2 $0xFFFFC000  }
0xc0: {  	[tilespmem:s2], [sflag:$0x3] =	stream.indirect.gather @!p2 [hbm4b:s3+s5], $0x20, s8, s5, $0xb8;
	[tilespmem:$0x1A400] =	vst v63  }
0xc1: {  	s4 =	simm.s32 @!p2 $0xF400  }
0xc2: {  	[tilespmem:s4], [sflag:$0x3] =	stream.indirect.gather @!p2 [hbm4b:s3+s5], $0x20, s17, s5, $0xb8;
	[tilespmem:$0x1A400] =	vst v63  }
0xc3: {  	s2 =	simm.s32 @!p2 $0x10400  }
0xc4: {  	[tilespmem:s2], [sflag:$0x3] =	stream.indirect.gather @!p2 [hbm4b:s3+s5], $0x20, s6, s5, $0xb8;
	[tilespmem:$0x1A400] =	vst v63  }
0xc5: {  	s4 =	simm.s32 @!p2 $0x11400;
	s2 =	simm.s32 @!p2 $0x4  }
0xc6: {  	[tilespmem:s4], [sflag:$0x3] =	stream.indirect.gather @!p2 [hbm4b:s3+s5], $0x20, s16, s5, $0xb8;
	[tilespmem:$0x1A400] =	vst v63  }
0xc7: {  	_ =	swait.ge @!p2 [sflag:s2], $0x4000  }
0xc8: {  	[sflag:s2] =	ssyncset.done @!p2 $0x0  }
0xc9: {  	s4 =	simm.s32 @!p2 $0x12400;
	[sflag:s2] =	ssyncadd.s32 @!p2 $0xFFFFC000;
	s2 =	simm.s32 @!p2 $0x9  }
0xca: {  	[hbm4b:s20+s7] =	stream.linear.scatter @!p2 [tilespmem:s4], [sflag:$0x9], $0x4000, $0x38;
	[tilespmem:$0x1A400] =	vst v63  }
0xcb: {  	_ =	swait.ge @!p2 [sflag:s2], $0x4000  }
0xcc: {  	[sflag:s2] =	ssyncset.done @!p2 $0x0  }
0xcd: {  	[sflag:s2] =	ssyncadd.s32 @!p2 $0xFFFFC000  }
0xce: {  	[tilespmem:s4], [sflag:$0x4] =	stream.indirect.gather @!p2 [hbm4b:s3+s5], $0x20, s1, s5, $0xb8;
	[tilespmem:$0x1A400] =	vst v63  }
0xcf: {  	s25 =	sadd.s32 $0x2800, s25;
	s2 =	simm.s32 @!p2 $0x13400  }
0xd0: {  	[tilespmem:s2], [sflag:$0x4] =	stream.indirect.gather @!p2 [hbm4b:s3+s5], $0x20, s13, s5, $0xb8;
	[tilespmem:$0x1A400] =	vst v63  }
0xd1: {  	p1 =	sne.s32 s25, $0x19000;
	s1 =	simm.s32 @!p2 $0x14400  }
0xd2: {  	[tilespmem:s1], [sflag:$0x4] =	stream.indirect.gather @!p2 [hbm4b:s3+s5], $0x20, s0, s5, $0xb8;
	[tilespmem:$0x1A400] =	vst v63  }
.Ltmp0:
0xd3: {  	s10 =	smov.u32 s19;
	(pc) =	sbr.rel @p1 .LBB2_2-.Ltmp0, $4  }
0xd4: {  	s19 =	sadd.s32 $0x50000, s19;
	s24 =	sadd.s32 $0x50000, s24;
	s2 =	simm.s32 @!p2 $0x15400  }
0xd5: {  	[tilespmem:s2], [sflag:$0x4] =	stream.indirect.gather @!p2 [hbm4b:s3+s5], $0x20, s11, s5, $0xb8;
	[tilespmem:$0x1A400] =	vst v63  }
0xd6: {  	s22 =	sadd.s32 $0x50000, s22;
	s21 =	sadd.s32 $0x50000, s21;
	_ =	swait.ge [sflag:s31], $0x4000  }
0xd7: {  	s20 =	sadd.s32 $0x50000, s20;
	s0 =	simm.s32 @!p0 $0xA;
	[sflag:s31] =	ssyncset.done $0x0  }
0xd8: {  	[sflag:s31] =	ssyncadd.s32 $0xFFFFC000;
	s7 =	simm.s32 $0x0;
	s8 =	simm.s32 $0x16400  }
0xd9: {  	[hbm4b:s10+s7] =	stream.linear.scatter [tilespmem:s8], [sflag:$0xA], $0x4000, $0x38;
	[tilespmem:$0x1A400] =	vst v63  }
0xda: {  	_ =	swait.ge @!p0 [sflag:s0], $0x4000  }
0xdb: {  	s1 =	sshra.s32 s23, $0x2;
	[sflag:s0] =	ssyncset.done @!p0 $0x0  }
0xdc: {  	s10 =	sadd.s32 $0x800, s1;
	[sflag:s0] =	ssyncadd.s32 @!p0 $0xFFFFC000  }
0xdd: {  	[tilespmem:s8], [sflag:$0x5] =	stream.indirect.gather [hbm4b:s3+s14], $0x20, s10, s14, $0xb8;
	[tilespmem:$0x1A400] =	vst v63  }
0xde: {  	s11 =	sadd.s32 $0x880, s1;
	s2 =	rddreg [dreg:$0x3]  }
0xdf: {  	[tilespmem:s2], [sflag:$0x5] =	stream.indirect.gather [hbm4b:s3+s14], $0x20, s11, s14, $0xb8;
	[tilespmem:$0x1A400] =	vst v63  }
0xe0: {  	s12 =	sadd.s32 $0x900, s1;
	s4 =	rddreg [dreg:$0x4]  }
0xe1: {  	[tilespmem:s4], [sflag:$0x5] =	stream.indirect.gather [hbm4b:s3+s14], $0x20, s12, s14, $0xb8;
	[tilespmem:$0x1A400] =	vst v63  }
0xe2: {  	s16 =	simm.s32 $0x1;
	s15 =	sadd.s32 $0x980, s1;
	s13 =	rddreg [dreg:$0x5]  }
0xe3: {  	[tilespmem:s13], [sflag:$0x5] =	stream.indirect.gather [hbm4b:s3+s14], $0x20, s15, s14, $0xb8;
	[tilespmem:$0x1A400] =	vst v63  }
0xe4: {  	_ =	swait.ge [sflag:s16], $0x4000  }
0xe5: {  	p0 =	seq.s32 s23, $0x16800;
	[sflag:s16] =	ssyncset.done $0x0  }
0xe6: {  	s17 =	simm.s32 $0x6400;
	s0 =	simm.s32 @p0 $0x2;
	[sflag:s16] =	ssyncadd.s32 $0xFFFFC000  }
0xe7: {  	[hbm4b:s24+s7] =	stream.linear.scatter [tilespmem:s17], [sflag:$0x6], $0x4000, $0x38;
	[tilespmem:$0x1A400] =	vst v63  }
0xe8: {  	_ =	swait.ge @p0 [sflag:s0], $0x4000  }
0xe9: {  	s2 =	simm.s32 @p0 $0x0;
	s4 =	simm.s32 @!p0 $0x6;
	[sflag:s0] =	ssyncset.done @p0 $0x0  }
0xea: {  	s1 =	rddreg [dreg:$0x6];
	[sflag:s0] =	ssyncadd.s32 @p0 $0xFFFFC000;
	s0 =	simm.s32 @p0 $0xA400  }
0xeb: {  	[hbm4b:s1+s2] =	stream.linear.scatter @p0 [tilespmem:s0], [sflag:$0x7], $0x4000, $0x38;
	[tilespmem:$0x1A400] =	vst v63  }
0xec: {  	_ =	swait.ge @!p0 [sflag:s4], $0x4000  }
0xed: {  	s0 =	sshra.s32 @!p0 s23, $0x2;
	s1 =	simm.s32 @!p0 $0x80;
	[sflag:s4] =	ssyncset.done @!p0 $0x0  }
0xee: {  	s5 =	sadd.s32 @!p0 $0xA00, s0;
	[sflag:s4] =	ssyncadd.s32 @!p0 $0xFFFFC000;
	s4 =	simm.s32 @!p0 $0x6400  }
0xef: {  	[tilespmem:s4], [sflag:$0x1] =	stream.indirect.gather @!p0 [hbm4b:s3+s1], $0x20, s5, s1, $0xb8;
	[tilespmem:$0x1A400] =	vst v63  }
0xf0: {  	s4 =	sadd.s32 @!p0 $0xA80, s0;
	s5 =	simm.s32 @!p0 $0x7400  }
0xf1: {  	[tilespmem:s5], [sflag:$0x1] =	stream.indirect.gather @!p0 [hbm4b:s3+s1], $0x20, s4, s1, $0xb8;
	[tilespmem:$0x1A400] =	vst v63  }
0xf2: {  	s4 =	sadd.s32 @!p0 $0xB00, s0;
	s5 =	simm.s32 @!p0 $0x8400  }
0xf3: {  	[tilespmem:s5], [sflag:$0x1] =	stream.indirect.gather @!p0 [hbm4b:s3+s1], $0x20, s4, s1, $0xb8;
	[tilespmem:$0x1A400] =	vst v63  }
0xf4: {  	s4 =	sadd.s32 @!p0 $0xB80, s0;
	s5 =	simm.s32 @!p0 $0x9400  }
0xf5: {  	[tilespmem:s5], [sflag:$0x1] =	stream.indirect.gather @!p0 [hbm4b:s3+s1], $0x20, s4, s1, $0xb8;
	[tilespmem:$0x1A400] =	vst v63  }
0xf6: {  	s4 =	simm.s32 @!p0 $0x2  }
0xf7: {  	_ =	swait.ge @!p0 [sflag:s4], $0x4000  }
0xf8: {  	s6 =	simm.s32 @!p0 $0x7;
	[sflag:s4] =	ssyncset.done @!p0 $0x0  }
0xf9: {  	s5 =	simm.s32 @!p0 $0x0;
	[sflag:s4] =	ssyncadd.s32 @!p0 $0xFFFFC000;
	s4 =	simm.s32 @!p0 $0xA400  }
0xfa: {  	[hbm4b:s22+s5] =	stream.linear.scatter @!p0 [tilespmem:s4], [sflag:$0x7], $0x4000, $0x38;
	[tilespmem:$0x1A400] =	vst v63  }
0xfb: {  	_ =	swait.ge @!p0 [sflag:s6], $0x4000  }
0xfc: {  	[sflag:s6] =	ssyncset.done @!p0 $0x0  }
0xfd: {  	[sflag:s6] =	ssyncadd.s32 @!p0 $0xFFFFC000;
	s6 =	sadd.s32 @!p0 $0xC00, s0  }
0xfe: {  	[tilespmem:s4], [sflag:$0x2] =	stream.indirect.gather @!p0 [hbm4b:s3+s1], $0x20, s6, s1, $0xb8;
	[tilespmem:$0x1A400] =	vst v63  }
0xff: {  	s4 =	sadd.s32 @!p0 $0xC80, s0;
	s6 =	simm.s32 @!p0 $0xB400  }
0x100: {  	[tilespmem:s6], [sflag:$0x2] =	stream.indirect.gather @!p0 [hbm4b:s3+s1], $0x20, s4, s1, $0xb8;
	[tilespmem:$0x1A400] =	vst v63  }
0x101: {  	s4 =	sadd.s32 @!p0 $0xD00, s0;
	s6 =	simm.s32 @!p0 $0xC400  }
0x102: {  	[tilespmem:s6], [sflag:$0x2] =	stream.indirect.gather @!p0 [hbm4b:s3+s1], $0x20, s4, s1, $0xb8;
	[tilespmem:$0x1A400] =	vst v63  }
0x103: {  	s4 =	sadd.s32 @!p0 $0xD80, s0;
	s6 =	simm.s32 @!p0 $0xD400  }
0x104: {  	[tilespmem:s6], [sflag:$0x2] =	stream.indirect.gather @!p0 [hbm4b:s3+s1], $0x20, s4, s1, $0xb8;
	[tilespmem:$0x1A400] =	vst v63  }
0x105: {  	_ =	swait.ge [sflag:s29], $0x4000  }
0x106: {  	[sflag:s29] =	ssyncset.done $0x0  }
0x107: {  	s18 =	simm.s32 $0xE400;
	s4 =	simm.s32 @p0 $0x4;
	[sflag:s29] =	ssyncadd.s32 $0xFFFFC000  }
0x108: {  	[hbm4b:s21+s7] =	stream.linear.scatter [tilespmem:s18], [sflag:$0x8], $0x4000, $0x38;
	[tilespmem:$0x1A400] =	vst v63  }
0x109: {  	_ =	swait.ge @p0 [sflag:s4], $0x4000  }
0x10a: {  	[sflag:s4] =	ssyncset.done @p0 $0x0  }
0x10b: {  	s6 =	rddreg [dreg:$0x7];
	[sflag:s4] =	ssyncadd.s32 @p0 $0xFFFFC000;
	s4 =	simm.s32 @p0 $0x12400  }
0x10c: {  	[hbm4b:s6+s2] =	stream.linear.scatter @p0 [tilespmem:s4], [sflag:$0x9], $0x4000, $0x38;
	[tilespmem:$0x1A400] =	vst v63  }
0x10d: {  	s2 =	simm.s32 @!p0 $0x8  }
0x10e: {  	_ =	swait.ge @!p0 [sflag:s2], $0x4000  }
0x10f: {  	[sflag:s2] =	ssyncset.done @!p0 $0x0  }
0x110: {  	s4 =	sadd.s32 @!p0 $0xE00, s0;
	[sflag:s2] =	ssyncadd.s32 @!p0 $0xFFFFC000;
	s2 =	simm.s32 @!p0 $0xE400  }
0x111: {  	[tilespmem:s2], [sflag:$0x3] =	stream.indirect.gather @!p0 [hbm4b:s3+s1], $0x20, s4, s1, $0xb8;
	[tilespmem:$0x1A400] =	vst v63  }
0x112: {  	s2 =	sadd.s32 @!p0 $0xE80, s0;
	s4 =	simm.s32 @!p0 $0xF400  }
0x113: {  	[tilespmem:s4], [sflag:$0x3] =	stream.indirect.gather @!p0 [hbm4b:s3+s1], $0x20, s2, s1, $0xb8;
	[tilespmem:$0x1A400] =	vst v63  }
0x114: {  	s2 =	sadd.s32 @!p0 $0xF00, s0;
	s4 =	simm.s32 @!p0 $0x10400  }
0x115: {  	[tilespmem:s4], [sflag:$0x3] =	stream.indirect.gather @!p0 [hbm4b:s3+s1], $0x20, s2, s1, $0xb8;
	[tilespmem:$0x1A400] =	vst v63  }
0x116: {  	s2 =	sadd.s32 @!p0 $0xF80, s0;
	s4 =	simm.s32 @!p0 $0x11400  }
0x117: {  	[tilespmem:s4], [sflag:$0x3] =	stream.indirect.gather @!p0 [hbm4b:s3+s1], $0x20, s2, s1, $0xb8;
	[tilespmem:$0x1A400] =	vst v63  }
0x118: {  	s2 =	simm.s32 @!p0 $0x4  }
0x119: {  	_ =	swait.ge @!p0 [sflag:s2], $0x4000  }
0x11a: {  	[sflag:s2] =	ssyncset.done @!p0 $0x0  }
0x11b: {  	s4 =	simm.s32 @!p0 $0x9;
	[sflag:s2] =	ssyncadd.s32 @!p0 $0xFFFFC000;
	s2 =	simm.s32 @!p0 $0x12400  }
0x11c: {  	[hbm4b:s20+s5] =	stream.linear.scatter @!p0 [tilespmem:s2], [sflag:$0x9], $0x4000, $0x38;
	[tilespmem:$0x1A400] =	vst v63  }
0x11d: {  	_ =	swait.ge @!p0 [sflag:s4], $0x4000  }
0x11e: {  	[sflag:s4] =	ssyncset.done @!p0 $0x0  }
0x11f: {  	[sflag:s4] =	ssyncadd.s32 @!p0 $0xFFFFC000;
	s4 =	sadd.s32 @!p0 $0x1000, s0  }
0x120: {  	[tilespmem:s2], [sflag:$0x4] =	stream.indirect.gather @!p0 [hbm4b:s3+s1], $0x20, s4, s1, $0xb8;
	[tilespmem:$0x1A400] =	vst v63  }
0x121: {  	s2 =	sadd.s32 @!p0 $0x1080, s0;
	s4 =	simm.s32 @!p0 $0x13400  }
0x122: {  	[tilespmem:s4], [sflag:$0x4] =	stream.indirect.gather @!p0 [hbm4b:s3+s1], $0x20, s2, s1, $0xb8;
	[tilespmem:$0x1A400] =	vst v63  }
0x123: {  	s2 =	sadd.s32 @!p0 $0x1100, s0;
	s4 =	simm.s32 @!p0 $0x14400  }
0x124: {  	[tilespmem:s4], [sflag:$0x4] =	stream.indirect.gather @!p0 [hbm4b:s3+s1], $0x20, s2, s1, $0xb8;
	[tilespmem:$0x1A400] =	vst v63  }
0x125: {  	s0 =	sadd.s32 @!p0 $0x1180, s0;
	s2 =	simm.s32 @!p0 $0x15400  }
0x126: {  	[tilespmem:s2], [sflag:$0x4] =	stream.indirect.gather @!p0 [hbm4b:s3+s1], $0x20, s0, s1, $0xb8;
	[tilespmem:$0x1A400] =	vst v63  }
0x127: {  	_ =	swait.ge [sflag:s31], $0x4000  }
0x128: {  	[sflag:s31] =	ssyncset.done $0x0  }
0x129: {  	s21 =	simm.s32 $0x6;
	[sflag:s31] =	ssyncadd.s32 $0xFFFFC000  }
0x12a: {  	[hbm4b:s19+s7] =	stream.linear.scatter [tilespmem:s8], [sflag:$0xA], $0x4000, $0x38;
	[tilespmem:$0x1A400] =	vst v63  }
0x12b: {  	_ =	swait.ge [sflag:s21], $0x4000  }
0x12c: {  	[sflag:s21] =	ssyncset.done $0x0  }
0x12d: {  	s22 =	simm.s32 $0x7;
	[sflag:s21] =	ssyncadd.s32 $0xFFFFC000  }
0x12e: {  	_ =	swait.ge [sflag:s22], $0x4000  }
0x12f: {  	[sflag:s22] =	ssyncset.done $0x0  }
0x130: {  	s23 =	simm.s32 $0x8;
	[sflag:s22] =	ssyncadd.s32 $0xFFFFC000  }
0x131: {  	_ =	swait.ge [sflag:s23], $0x4000  }
0x132: {  	[sflag:s23] =	ssyncset.done $0x0  }
0x133: {  	s24 =	simm.s32 $0x9;
	[sflag:s23] =	ssyncadd.s32 $0xFFFFC000  }
0x134: {  	_ =	swait.ge [sflag:s24], $0x4000  }
0x135: {  	[sflag:s24] =	ssyncset.done $0x0  }
0x136: {  	s25 =	simm.s32 $0xA;
	[sflag:s24] =	ssyncadd.s32 $0xFFFFC000  }
0x137: {  	_ =	swait.ge [sflag:s25], $0x4000  }
0x138: {  	s26 =	rddreg [dreg:$0xf]  }
0x139: {  	s30 =	rddreg [dreg:$0x9];
	s2 =	sadd.s32 $0x1, s26  }
0x13a: {  	p0 =	sne.s32 s2, s30  }
.Ltmp1:
0x13b: {  	_ = 	snop;
	(pc) =	sbr.rel @p0 .LBB2_1-.Ltmp1, $3  }
0x13c: {  	_ =	sdelay $0x1  }
0x13d: {  	[sflag:s25] =	ssyncset.done $0x0  }
0x13e: {  	s6 =	simm.s32 $0x16400;
	[sflag:s25] =	ssyncadd.s32 $0xFFFFC000  }
0x13f: {  	_ =	sfence.sel $0x180000  }
0x140: {  	[bflag:$0x0] =	sbarrier.arrive $0xFFFF  }
0x141: {  	_ =	strace $0x90000047  }
0x142: {  	s0 =	stileid.u32;
	[bflag:$0x2] =	sbarrier.arrive $0xFFFF  }
0x143: {  	p0 =	sne.s32 s0, $0x0;
	s0 =	rddreg [dreg:$0x2]  }
0x144: {  	s0 =	sadd.s32 @!p0 $0x100000, s0  }
0x145: {  	[sflag:s0] =	ssyncadd.tile.s32 @!p0 $0x1;
	_ =	shalt  }
.Lfunc_end2:
_tile_overlayer_lowered:
.L_overlay_start_2:
0x146: {  	(tag) =	ssettag $0x2  }
0x147: {  	s0 =	rddreg [dreg:$0x0];
	s2 =	stileid.u32  }
0x148: {  	s1 =	rddreg [dreg:$0x1];
	p0 =	sne.s32 s2, $0x0  }
0x149: {  	s3 =	rddreg [dreg:$0x2];
	[bflag:$0x3] =	sbarrier.arrive $0xFFFF;
	s2 =	simm.s32 @!p0 $0x1C0B  }
0x14a: {  	[timem:s3], [sflag:s2] =	dma.local @!p0 [hbm:s0], s1  }
0x14b: {  	s0 =	simm.s32 @!p0 $0xB  }
0x14c: {  	_ =	swait.ge @!p0 [sflag:s0], s1  }
0x14d: {  	s1 =	ssub.s32 @!p0 $0x0, s1;
	[sflag:s0] =	ssyncset.done @!p0 $0x0  }
0x14e: {  	[sflag:s0] =	ssyncadd.s32 @!p0 s1  }
0x14f: {  	[bflag:$0x3] =	sbarrier.arrive $0xFFFF  }
0x150: {  	_ =	shalt  }

// kernel: sparse-core-data-format-call.cloned.1.call-start
scs
called_computation_lowered:
.L_overlay_start_0:
0x0: {  	s2 =	sld [smem:$0x3FD9]  }
0x1: {  	s3 =	sld [smem:$0x3FFE];
	_ =	sdelay $0x1  }
0x2: {  	s1 =	srdreg.scid  }
0x3: {  	s0 =	sand.u32 $0x1, s1  }
0x4: {  	s18 =	sshll.u32 s0, $0xA;
	s2 =	sadd.s32 s3, s2  }
0x5: {  	s2 =	sadd.s32 s2, s18  }
0x6: {  	[smem:$0x3FC6] =	sst s2  }
0x7: {  	_ = 	snop  }
0x8: {  	s2 =	sld [smem:$0x3FD0];
	(tm) =	ssettm $0x1  }
0x9: {  	s19 =	sld [smem:$0x3FFB];
	_ =	sdelay $0x3  }
0xa: {  	_ =	strace s19  }
0xb: {  	s3 =	sld [smem:$0x3FFC];
	_ =	sdelay $0x3  }
0xc: {  	_ =	strace s3  }
0xd: {  	s3 =	sld [smem:$0x3FFD];
	_ =	sdelay $0x3  }
0xe: {  	_ =	strace s3  }
0xf: {  	_ =	strace $0x8FFFFFFF  }
0x10: {  	s20 =	sld [smem:$0x3FDB];
	_ =	sdelay $0x1  }
0x11: {  	s4 =	simm.s32 $_scs_section_size  }
0x12: {  	s5 =	simm.s32 $_size__tile_overlayer_lowered;
	s6 =	simm.s32 $_tile_overlayer_lowered  }
0x13: {  	s23 =	simm.s32 $0x1BFF;
	s22 =	sshll.u32 s6, $0x1;
	s3 =	sadd.s32 s4, s20  }
0x14: {  	s7 =	simm.s32 $0x0;
	s21 =	sshll.u32 s5, $0x1;
	s5 =	sadd.s32 s22, s3  }
0x15: {  	[timem:s7], [sflag:s23] =	dma.local [hbm:s5], s21  }
0x16: {  	_ =	swait.ge [sflag:s23], s21  }
0x17: {  	s4 =	ssub.s32 $0x0, s21;
	[sflag:s23] =	ssyncset.done $0x0  }
0x18: {  	[sflag:s23] =	ssyncadd.s32 s4;
	_ =	sdelay $0x1  }
0x19: {  	s24 =	simm.s32 $0x1B8B  }
0x1a: {  	_ =	swait.ge [sflag:s24], $0x1  }
0x1b: {  	[sflag:s24] =	ssyncset.done $0x0  }
0x1c: {  	s26 =	simm.s32 $0x1B8E;
	s25 =	sld [smem:$0x3FFE];
	[sflag:s24] =	ssyncadd.s32 $0xFFFFFFFF  }
0x1d: {  	s27 =	simm.s32 $execute0_lowered;
	[smem:$0x3FD2] =	sst s26  }
0x1e: {  	s5 =	sshll.u32 s27, $0x1;
	_ =	strace $0x80000049;
	[dreg:$0x1] =	wrdreg $0xFFFFFFFF  }
0x1f: {  	s28 =	simm.s32 $_size_execute0_lowered;
	s3 =	sadd.s32 s3, s5;
	[dreg:$0x0] =	wrdreg $0x0  }
0x20: {  	s5 =	sshll.u32 s28, $0x1;
	[dreg:$0x2] =	wrdreg s3  }
0x21: {  	[dreg:$0x3] =	wrdreg s5  }
0x22: {  	[dreg:$0x4] =	wrdreg $0xC0  }
0x23: {  	_ =	task [dreg:s7], $0x5FFFF  }
0x24: {  	[dreg:$0x1] =	wrdreg $0xFFFFFFFF  }
0x25: {  	[dreg:$0x0] =	wrdreg $0x60  }
0x26: {  	[dreg:$0x2] =	wrdreg s25  }
0x27: {  	[dreg:$0x3] =	wrdreg s2  }
0x28: {  	[dreg:$0x4] =	wrdreg $0x9  }
0x29: {  	_ =	task.clear_ibuf [dreg:s7], $0x5FFFF;
	_ =	strace $0x90000049  }
0x2a: {  	s29 =	simm.s32 $0x9;
	_ =	strace $0x8000004B  }
0x2b: {  	_ =	swait.ge [sflag:s29], $0x1  }
0x2c: {  	[sflag:s29] =	ssyncadd.s32 $0xFFFFFFFF  }
0x2d: {  	_ =	strace $0x9000004B  }
0x2e: {  	_ =	sfence  }
0x2f: {  	s30 =	sld [smem:$0x0];
	_ =	sdelay $0x2  }
0x30: {  	s31 =	sshll.u32 s1, $0xD;
	s1 =	sshrl.u32 s1, $0x2  }
0x31: {  	s3 =	sand.u32 $0x4000, s31;
	s1 =	sadd.s32 s1, s30  }
0x32: {  	s0 =	sor.u32 s3, s0;
	s1 =	sshll.u32 s1, $0x11  }
0x33: {  	s0 =	sor.u32 s1, s0  }
0x34: {  	s0 =	sadd.s32 $0x8F2B, s0  }
0x35: {  	[sflag:s0] =	ssyncadd.remote.s32 $0x1  }
0x36: {  	_ =	sfence.sel $0xFFFF  }
0x37: {  	[dreg:$0x0] =	wrdreg $0xFFFFFFFF;
	(pc) =	sbr.abs _section_cstart, $3  }
0x38: {  	[dreg:$0x1] =	wrdreg $0xFFFFFFFF  }
0x39: {  	_ =	task.clear_ibuf [dreg:s7], $0x2FFFF;
	_ =	strace $0x9FFFFFFF  }
0x3a: {  	(tm) =	ssettm $0x7FFFFFFF  }
0x3b: {  	_ =	shalt  }
tec
execute0_lowered:
.L_overlay_start_1:
0x0: {  	(tag) =	ssettag $0x1  }
0x1: {  	s0 =	srdreg.scid  }
0x2: {  	s1 =	sshll.u32 s0, $0x4  }
0x3: {  	s0 =	stileid.u32;
	s1 =	sand.u32 $0x10, s1  }
0x4: {  	s7 =	rddreg [dreg:$0x0];
	s1 =	sor.u32 s0, s1  }
0x5: {  	s4 =	simm.s32 $0x1;
	s8 =	simm.s32 $0x2;
	s2 =	sshll.u32 s1, $0x7  }
0x6: {  	s13 =	simm.s32 $0x0;
	s9 =	simm.s32 $0x20000;
	s1 =	ssub.s32 $0x4000, s2  }
0x7: {  	s14 =	simm.s32 $0x0;
	s11 =	simm.s32 $0x0;
	s3 =	sand.u32 $0xF80, s1  }
0x8: {  	s12 =	simm.s32 $0x0;
	s5 =	sshrl.u32 s1, $0xC;
	p0 =	sne.s32 s3, $0x0  }
.Ltmp0:
0x9: {  	s1 =	rddreg [dreg:$0x2];
	s4 =	simm.s32 @!p0 $0x0;
	(pc) =	sbr.rel .LBB1_1-.Ltmp0, $4  }
0xa: {  	s6 =	sadd.s32 $0xA00, s7;
	s3 =	rddreg [dreg:$0x1];
	s5 =	sadd.s32 s4, s5  }
0xb: {  	_ =	strace $0x8000004A;
	s4 =	simm.s32 $0x1;
	s5 =	smul.u32 $0x19, s5  }
0xc: {  	s7 =	sadd.s32 $0x40A00, s7;
	s10 =	smov.u32 s2;
	[sflag:s4] =	ssyncpa.u1 $0x0  }
0xd: {  	p0 =	por $0x0, $0x0;
	[sflag:s8] =	ssyncpa.u1 $0x0;
	s8 =	sadd.s32 $0x1, s5  }
.LBB1_7:
0xe: {  	s15 =	sadd.s32 $0x1000, s10  }
0xf: {  	s13 =	sadd.s32 $0x2, s11;
	s17 =	smov.u32 s11;
	p2 =	sgt.s32 s15, $0x3FFF  }
0x10: {  	s17 =	smov.u32 @p2 s13  }
0x11: {  	s15 =	smov.u32 @p2 s2;
	p2 =	sgt.s32 s17, $0x31  }
0x12: {  	s17 =	simm.s32 @p2 $0x0;
	p2 =	sne.s32 s12, s8  }
.Ltmp1:
0x13: {  	p1 =	slt.u32 s12, $0x2;
	(pc) =	sbr.rel @!p2 .LBB1_8-.Ltmp1, $4  }
0x14: {  	s16 =	simm.s32 @!p1 $0x2  }
0x15: {  	s14 =	smov.u32 s11;
	p0 =	por !p0, !p0;
	_ =	swait.ge @!p1 [sflag:s16], $0x2000  }
0x16: {  	s13 =	smov.u32 s10;
	[sflag:s16] =	ssyncset.done @!p1 $0x0;
	s10 =	smov.u32 s15  }
0x17: {  	s12 =	sadd.s32 $0x1, s12;
	[sflag:s16] =	ssyncadd.s32 @!p1 $0xFFFFE000;
	s11 =	smov.u32 s17  }
.LBB1_1:
0x18: {  	p1 =	sge.u32 s12, s5  }
0x19: {  	s15 =	sxor.u32 @!p1 $0xFFFFFFFF, s12;
	s16 =	sshll.u32 @!p1 s11, $0x12  }
0x1a: {  	s17 =	sshll.u32 @!p1 s10, $0x4;
	s19 =	simm.s32 @!p1 $0x20;
	s20 =	simm.s32 @!p1 $0x80  }
0x1b: {  	s15 =	sshll.u32 @!p1 s15, $0xD;
	s17 =	sand.u32 @!p1 $0x3FFF0, s17;
	s18 =	sadd.s32 @!p1 s6, s16  }
0x1c: {  	s16 =	sadd.s32 @!p1 s16, s7;
	s15 =	sand.u32 @!p1 $0x2000, s15;
	s18 =	sadd.s32 @!p1 s17, s18  }
0x1d: {  	[tilespmem:s15], [sflag:$0x1] =	stream.strided.gather @!p1 [hbm4b:s18+s19], $0x1000, s20, s19, $0x38;
	[tilespmem:$0x8080] =	vst v63  }
0x1e: {  	s31 =	sadd.s32 $0xFFFFFFFF, s12;
	s16 =	sadd.s32 @!p1 s17, s16;
	s15 =	sor.u32 @!p1 $0x1000, s15  }
0x1f: {  	[tilespmem:s15], [sflag:$0x1] =	stream.strided.gather @!p1 [hbm4b:s16+s19], $0x1000, s20, s19, $0x38;
	[tilespmem:$0x8080] =	vst v63  }
0x20: {  	p1 =	sge.u32 s31, s5  }
.Ltmp2:
0x21: {  	_ = 	snop;
	(pc) =	sbr.rel @p1 .LBB1_7-.Ltmp2, $1  }
0x22: {  	_ =	sdelay $0x3  }
0x23: {  	s15 =	simm.s32 $0x1;
	s17 =	sand.u32 $0x1, s12  }
0x24: {  	_ =	swait.ge [sflag:s4], $0x2000;
	s15 =	simm.s32 @!p0 $0x0;
	s17 =	smul.u32 $0x8100, s17  }
0x25: {  	p2 =	por $0x1, $0x1;
	[sflag:s4] =	ssyncset.done $0x0;
	s16 =	smul.u32 $0x8100, s15  }
0x26: {  	s18 =	sshll.u32 s15, $0xF;
	[sflag:s4] =	ssyncadd.s32 $0xFFFFE000;
	s30 =	sshrl.u32 s17, $0x2  }
0x27: {  	s31 =	sshrl.u32 s18, $0x2;
	s18 =	simm.s32 $0x0;
	s16 =	sshrl.u32 s16, $0x2  }
0x28: {  	s15 =	sor.u32 $0x4000, s30;
	s17 =	sadd.s32 $0x10, s31;
	s16 =	sor.u32 $0x4000, s16  }
.LBB1_3:
0x29: {  	s19 =	sshll.u32 s18, $0xC  }
0x2a: {  	s19 =	sand.u32 $0x3FFFF000, s19  }
0x2b: {  	s20 =	sadd.s32 s19, s17  }
0x2c: {  	s31 =	smul.u32 $0x4080, s18;
	v1 =	vld [tilespmem:s20+$0x0]  }
0x2d: {  	v0 =	vld [tilespmem:s20+$0xFFFFFFF0]  }
0x2e: {  	s18 =	sshra.s32 s31, $0x2  }
0x2f: {  	s18 =	sadd.s32 s18, s16  }
0x30: {  	s21 =	sadd.s32 $0x0, s18  }
0x31: {  	p1 =	por p2, p2;
	s19 =	simm.s32 $0x4;
	s20 =	sadd.s32 $0x20, s20;
	[tilespmem:s21+$0x810 ss:$0x81] =	vst.msk $0xffff, v1  }
.LBB1_4:
0x32: {  	v1 =	vld [tilespmem:s20+$0x0];
	p2 =	sne.s32 s19, $0x1FC;
	[tilespmem:s21+$0x0 ss:$0x81] =	vst.msk $0xffff, v0;
	s21 =	smov.u32 s19;
	s19 =	sadd.s32 $0x4, s19  }
.Ltmp3:
0x33: {  	v0 =	vld [tilespmem:s20+$0xFFFFFFF0];
	(pc) =	sbr.rel @p2 .LBB1_4-.Ltmp3, $4  }
0x34: {  	_ = 	snop  }
0x35: {  	s21 =	sshra.s32 s21, $0x2  }
0x36: {  	s21 =	sadd.s32 s21, s18  }
0x37: {  	s20 =	sadd.s32 $0x20, s20;
	[tilespmem:s21+$0x810 ss:$0x81] =	vst.msk $0xffff, v1  }
.Ltmp4:
0x38: {  	(pc) =	sbr.rel @p1 .LBB1_3-.Ltmp4, $2  }
0x39: {  	_ =	sdelay $0x2  }
0x3a: {  	[tilespmem:s21+$0x0 ss:$0x81] =	vst.msk $0xffff, v0;
	s18 =	simm.s32 $0x1;
	p2 =	por $0x0, $0x0  }
0x3b: {  	s16 =	sshll.u32 s13, $0x3;
	s17 =	sand.u32 $0x78, s13;
	s14 =	sshll.u32 s14, $0x10  }
.Ltmp5:
0x3c: {  	s30 =	sand.u32 $0xF800, s13;
	s16 =	sand.u32 $0x3C00, s16;
	(pc) =	sbr.rel .LBB1_7-.Ltmp5, $4  }
0x3d: {  	s31 =	sand.u32 $0x7, s13;
	s14 =	sadd.s32 s3, s14;
	s16 =	sor.u32 s17, s16  }
0x3e: {  	s13 =	sshll.u32 s31, $0x12;
	s14 =	sadd.s32 s30, s14;
	s16 =	sshrl.u32 s16, $0x3  }
0x3f: {  	s13 =	sor.u32 $0x400, s13;
	s14 =	sadd.s32 s16, s14  }
0x40: {  	[hbm4b:s14+s13] =	stream.strided.scatter [tilespmem:s15], [sflag:$0x2], $0x2000, s9, s13, $0x20;
	[tilespmem:$0x8080] =	vst v63  }
.LBB1_8:
0x41: {  	_ =	sfence.sel $0x180000  }
0x42: {  	s2 =	simm.s32 $0x1;
	[bflag:$0x0] =	sbarrier.arrive $0xFFFF  }
0x43: {  	s31 =	simm.s32 $0x2;
	[sflag:s2] =	ssyncpa.u1 $0x1  }
0x44: {  	[sflag:s31] =	ssyncpa.u1 $0x1  }
0x45: {  	p0 =	sne.s32 s0, $0x0;
	_ =	strace $0x9000004A  }
0x46: {  	s0 =	sadd.s32 @!p0 $0x100000, s1;
	[bflag:$0x2] =	sbarrier.arrive $0xFFFF  }
0x47: {  	[sflag:s0] =	ssyncadd.tile.s32 @!p0 $0x1;
	_ =	shalt  }
.Lfunc_end1:
_tile_overlayer_lowered:
.L_overlay_start_2:
0x48: {  	(tag) =	ssettag $0x2  }
0x49: {  	s0 =	rddreg [dreg:$0x0];
	s2 =	stileid.u32  }
0x4a: {  	s1 =	rddreg [dreg:$0x1];
	p0 =	sne.s32 s2, $0x0  }
0x4b: {  	s3 =	rddreg [dreg:$0x2];
	[bflag:$0x3] =	sbarrier.arrive $0xFFFF;
	s2 =	simm.s32 @!p0 $0x1C01  }
0x4c: {  	[timem:s3], [sflag:s2] =	dma.local @!p0 [hbm:s0], s1  }
0x4d: {  	s0 =	simm.s32 @!p0 $0x1  }
0x4e: {  	_ =	swait.ge @!p0 [sflag:s0], s1  }
0x4f: {  	s1 =	ssub.s32 @!p0 $0x0, s1;
	[sflag:s0] =	ssyncset.done @!p0 $0x0  }
0x50: {  	[sflag:s0] =	ssyncadd.s32 @!p0 s1  }
0x51: {  	[bflag:$0x3] =	sbarrier.arrive $0xFFFF  }
0x52: {  	_ =	shalt  }

</sc_bundles>
